<compile_context>
chip_gen: v7x
topology: tpu7x:2x2x1
jax: 0.10.2.dev20260603
libtpu: 0.0.44.dev20260713+nightly
codegen_flags: <defaults>
</compile_context>

<pallas_src>
import functools

import jax
import jax.numpy as jnp
from jax import lax
from jax.experimental import pallas as pl
from jax.experimental.pallas import tpu as pltpu
from jax.experimental.pallas import tpu_sc as plsc

N = 4096
BLK = 512
NUM_BINS = 3
K0 = N // NUM_BINS
K1 = 2 * (N // NUM_BINS)
MAX_FINITE_BITS = 0x7F7FFFFF
L = 16


def _lane_gather(x, idx):
    dn = lax.GatherDimensionNumbers(
        offset_dims=(), collapsed_slice_dims=(0,), start_index_map=(0,))
    return lax.gather(x, idx[:, None], dn, (1,),
                      mode=lax.GatherScatterMode.PROMISE_IN_BOUNDS)


def _sc_bin(scores_hbm, qmin_hbm, qmax_hbm, svec, qmn, qmx):
    leader = (lax.axis_index("c") == 0) & (lax.axis_index("s") == 0)

    @pl.when(leader)
    def _():
        pltpu.sync_copy(scores_hbm, svec)
        lanes = lax.iota(jnp.int32, L)

        def cnt_le(midf):
            def ibody(i, acc):
                v = svec[pl.ds(i * L, L)]
                return acc + jnp.where(v <= midf, 1.0, 0.0)
            acc = lax.fori_loop(0, N // L, ibody, jnp.zeros((L,), jnp.float32), unroll=16)
            for sh in (8, 4, 2, 1):
                acc = acc + _lane_gather(acc, jnp.bitwise_xor(lanes, sh))
            return acc

        def obody(_, carry):
            lo0, hi0, lo1, hi1 = carry
            mid0 = jnp.right_shift(lo0 + hi0, 1)
            mid1 = jnp.right_shift(lo1 + hi1, 1)
            up0 = cnt_le(lax.bitcast_convert_type(mid0, jnp.float32)) >= K0 + 1
            up1 = cnt_le(lax.bitcast_convert_type(mid1, jnp.float32)) >= K1 + 1
            lo0, hi0 = jnp.where(up0, lo0, mid0), jnp.where(up0, mid0, hi0)
            lo1, hi1 = jnp.where(up1, lo1, mid1), jnp.where(up1, mid1, hi1)
            return lo0, hi0, lo1, hi1

        lo = jnp.full((L,), -1, jnp.int32)
        hi = jnp.full((L,), MAX_FINITE_BITS, jnp.int32)
        _, hi0, _, hi1 = lax.fori_loop(0, 32, obody, (lo, hi, lo, hi))
        t0 = lax.bitcast_convert_type(hi0, jnp.float32)
        t1 = lax.bitcast_convert_type(hi1, jnp.float32)

        def qbody(i, c):
            s = svec[pl.ds(i * L, L)]
            half = jnp.where(s <= t0, 2.0, jnp.where(s <= t1, 8.0, 32.0))
            qmn[pl.ds(i * L, L)] = -half
            qmx[pl.ds(i * L, L)] = half - 1.0
            return c
        lax.fori_loop(0, N // L, qbody, 0)
        pltpu.sync_copy(qmn, qmin_hbm)
        pltpu.sync_copy(qmx, qmax_hbm)


def _quant_kernel(qmin_ref, qmax_ref, w_ref, out_ref):
    w = w_ref[:]
    q_min = qmin_ref[:]
    q_max = qmax_ref[:]
    mn = jnp.min(w, axis=0, keepdims=True)
    mx = jnp.max(w, axis=0, keepdims=True)
    scale = (mx - mn) / (q_max - q_min)
    scale = jnp.where(jnp.abs(scale) < 1e-6, jnp.float32(1e-6), scale)
    zp = jnp.clip(jnp.round(q_min - mn / scale), q_min, q_max)
    q = jnp.clip(jnp.round(w / scale) + zp, -128.0, 127.0)
    out_ref[:] = (q - zp) * scale


def kernel(weight, scores):
    mesh = plsc.VectorSubcoreMesh(core_axis_name="c", subcore_axis_name="s")
    sc_bin = functools.partial(
        pl.kernel,
        mesh=mesh,
        out_type=(
            jax.ShapeDtypeStruct((N,), jnp.float32),
            jax.ShapeDtypeStruct((N,), jnp.float32),
        ),
        scratch_types=[
            pltpu.VMEM((N,), jnp.float32),
            pltpu.VMEM((N,), jnp.float32),
            pltpu.VMEM((N,), jnp.float32),
        ],
    )(_sc_bin)
    qmin, qmax = sc_bin(scores)

    out = pl.pallas_call(
        _quant_kernel,
        grid=(N // BLK,),
        in_specs=[
            pl.BlockSpec((1, BLK), lambda j: (0, j)),
            pl.BlockSpec((1, BLK), lambda j: (0, j)),
            pl.BlockSpec((N, BLK), lambda j: (0, j)),
        ],
        out_specs=pl.BlockSpec((N, BLK), lambda j: (0, j)),
        out_shape=jax.ShapeDtypeStruct((N, N), jnp.float32),
        compiler_params=pltpu.CompilerParams(
            dimension_semantics=("arbitrary",),
        ),
    )(qmin.reshape(1, N), qmax.reshape(1, N), weight)
    return out

# --- scband reference (transcript-rebuilt; emitter-appended) ---
"""Pipeline reference for scband-selective-quantizer-5351529251297 (READ-ONLY COPY).

The authoritative reference and input builder live on the scoring server;
editing this copy changes nothing except your own understanding.
"""

import jax, jax.numpy as jnp
import numpy as np

MIN_BITS = 2
MAX_BITS = 8
NUM_BINS = 3


def setup_inputs(seed: int = 0) -> dict:
    key = jax.random.key(seed)
    k1, k2 = jax.random.split(key)
    weight = jax.random.normal(k1, (4096, 4096), dtype=jnp.float32)
    scores = jax.random.uniform(k2, (4096,), dtype=jnp.float32)
    return {"weight": weight, "scores": scores}


def _forward(weight, scores):
    n = scores.shape[0]
    sorted_scores = jnp.sort(scores)
    bin_size = n // NUM_BINS
    bin_thresholds = [sorted_scores[i * bin_size] for i in range(1, NUM_BINS)]
    # torch.linspace(2, 8, 4).int() -> [2, 4, 6, 8]
    bitwidths = jnp.linspace(MIN_BITS, MAX_BITS, NUM_BINS + 1).astype(jnp.int32)
    column_bits = jnp.zeros_like(scores, dtype=jnp.int32)
    for i in range(NUM_BINS):
        if i == 0:
            mask = scores <= bin_thresholds[0]
        elif i == NUM_BINS - 1:
            mask = scores > bin_thresholds[-1]
        else:
            mask = (scores > bin_thresholds[i - 1]) & (scores <= bin_thresholds[i])
        column_bits = jnp.where(mask, bitwidths[i], column_bits)
    # quantize_adaptive per column (vectorized over columns)
    bits_f = column_bits.astype(jnp.float32)
    q_min = -jnp.exp2(bits_f - 1.0)          # -(1 << (bits-1))
    q_max = jnp.exp2(bits_f - 1.0) - 1.0     # (1 << (bits-1)) - 1
    min_vals = jnp.min(weight, axis=0)
    max_vals = jnp.max(weight, axis=0)
    scale = (max_vals - min_vals) / (q_max - q_min)
    scale = jnp.where(jnp.abs(scale) < 1e-6, jnp.float32(1e-6), scale)
    zero_point = jnp.clip(jnp.round(q_min - min_vals / scale), q_min, q_max)
    # torch.quantize_per_tensor with qint8: clamp to [-128, 127]
    q = jnp.clip(jnp.round(weight / scale[None, :]) + zero_point[None, :], -128.0, 127.0)
    deq = (q - zero_point[None, :]) * scale[None, :]
    # columns with bits == max_bits are skipped (kept as original weight)
    keep = (column_bits == MAX_BITS)
    new_weight = jnp.where(keep[None, :], weight, deq)
    return new_weight


def reference(weight, scores):
    return _forward(weight, scores)

if __name__ == "__main__":
    import jax
    _d = setup_inputs()
    print(jax.jit(kernel)(*tuple(_d.values())))

</pallas_src>

<mosaic_0001>
#map = affine_map<(d0, d1) -> (0)>
module attributes {stable_mosaic.version = 14 : i64} {
  func.func @_sc_bin(%arg0: i32, %arg1: i32, %arg2: memref<4096xf32, #tpu.memory_space<hbm>>, %arg3: memref<4096xf32, #tpu.memory_space<hbm>>, %arg4: memref<4096xf32, #tpu.memory_space<hbm>>, %arg5: memref<4096xf32, #tpu.memory_space<vmem>>, %arg6: memref<4096xf32, #tpu.memory_space<vmem>>, %arg7: memref<4096xf32, #tpu.memory_space<vmem>>) attributes {dimension_semantics = [#tpu.dimension_semantics<core_parallel>, #tpu.dimension_semantics<subcore_parallel>], iteration_bounds = array<i64: 2, 16>, scalar_prefetch = 0 : i64, scratch_operands = 3 : i64, tpu.core_type = #tpu.core_type<sc_vector_subcore>, window_params = [{transform_indices = #map}, {transform_indices = #map}, {transform_indices = #map}]} {
    %eq3A = arith.constant 0 : i32
    %eq3A_0 = arith.cmpi eq, %arg0, %eq3A : i32
    %eq3A_1 = arith.constant 0 : i32
    %eq3A_2 = arith.cmpi eq, %arg1, %eq3A_1 : i32
    %and3A = arith.andi %eq3A_0, %eq3A_2 : i1
    %convert_element_type3A = arith.extui %and3A : i1 to i32
    %cond3A = arith.constant 0 : i32
    %cond3A_3 = arith.cmpi ne, %convert_element_type3A, %cond3A : i32
    scf.if %cond3A_3 {
      "tpu.region"() ({
        %run_scoped3A = tpu.sem_alloc : memref<!tpu.dma_semaphore, #tpu.memory_space<semaphore_mem>>
        tpu.enqueue_dma source(%arg2 : memref<4096xf32, #tpu.memory_space<hbm>>) target(%arg5 : memref<4096xf32, #tpu.memory_space<vmem>>) target_semaphore(%run_scoped3A : memref<!tpu.dma_semaphore, #tpu.memory_space<semaphore_mem>>)
        tpu.wait_dma2 semaphore(%run_scoped3A : memref<!tpu.dma_semaphore, #tpu.memory_space<semaphore_mem>>) src(%arg2 : memref<4096xf32, #tpu.memory_space<hbm>>) dst(%arg5 : memref<4096xf32, #tpu.memory_space<vmem>>)
        tpu.yield
      }) : () -> ()
      %iota3A = tpu.iota {dimensions = array<i32: 0>} : vector<16xi32>
      %broadcast_in_dim3A = arith.constant -1 : i32
      %broadcast_in_dim3A_4 = vector.broadcast %broadcast_in_dim3A : i32 to vector<16xi32>
      %broadcast_in_dim3A_5 = arith.constant 2139095039 : i32
      %broadcast_in_dim3A_6 = vector.broadcast %broadcast_in_dim3A_5 : i32 to vector<16xi32>
      %scan3A = arith.constant 0 : i32
      %scan3A_7 = arith.constant 32 : i32
      %scan3A_8 = arith.addi %scan3A, %scan3A_7 : i32
      %scan3A_9 = arith.constant 1 : i32
      %scan3A_10:4 = scf.for %scan3A_19 = %scan3A to %scan3A_8 step %scan3A_9 iter_args(%scan3A_20 = %broadcast_in_dim3A_4, %scan3A_21 = %broadcast_in_dim3A_6, %scan3A_22 = %broadcast_in_dim3A_4, %scan3A_23 = %broadcast_in_dim3A_6) -> (vector<16xi32>, vector<16xi32>, vector<16xi32>, vector<16xi32>)  : i32 {
        %add3A = arith.addi %scan3A_20, %scan3A_21 : vector<16xi32>
        %shift_right_arithmetic3A = arith.constant 1 : i32
        %shift_right_arithmetic3A_24 = vector.broadcast %shift_right_arithmetic3A : i32 to vector<16xi32>
        %shift_right_arithmetic3A_25 = arith.shrsi %add3A, %shift_right_arithmetic3A_24 : vector<16xi32>
        %add3A_26 = arith.addi %scan3A_22, %scan3A_23 : vector<16xi32>
        %shift_right_arithmetic3A_27 = arith.constant 1 : i32
        %shift_right_arithmetic3A_28 = vector.broadcast %shift_right_arithmetic3A_27 : i32 to vector<16xi32>
        %shift_right_arithmetic3A_29 = arith.shrsi %add3A_26, %shift_right_arithmetic3A_28 : vector<16xi32>
        %bitcast_convert_type3A_30 = tpu.bitcast %shift_right_arithmetic3A_25 : vector<16xi32> -> vector<16xf32>
        %broadcast_in_dim3A_31 = arith.constant 0.000000e+00 : f32
        %broadcast_in_dim3A_32 = vector.broadcast %broadcast_in_dim3A_31 : f32 to vector<16xf32>
        %scan3A_33 = arith.constant 0 : i32
        %scan3A_34 = arith.constant 256 : i32
        %scan3A_35 = arith.addi %scan3A_33, %scan3A_34 : i32
        %scan3A_36 = arith.constant 16 : i32
        %scan3A_37 = scf.for %scan3A_110 = %scan3A_33 to %scan3A_35 step %scan3A_36 iter_args(%scan3A_111 = %broadcast_in_dim3A_32) -> (vector<16xf32>)  : i32 {
          %mul3A = arith.constant 16 : i32
          %mul3A_112 = arith.muli %scan3A_110, %mul3A : i32
          %get3A = arith.index_cast %mul3A_112 : i32 to index
          %get3A_113 = tpu.vector_load %arg5[%get3A] {strides = array<i32>} : memref<4096xf32, #tpu.memory_space<vmem>>, vector<16xf32>,
          %get3A_114 = vector.shape_cast %get3A_113 : vector<16xf32> to vector<16xf32>
          %le3A = arith.cmpf ole, %get3A_114, %bitcast_convert_type3A_30 : vector<16xf32>
          %jit3A = arith.constant 1.000000e+00 : f32
          %jit3A_115 = arith.constant 0.000000e+00 : f32
          %broadcast_in_dim3A_116 = vector.broadcast %jit3A : f32 to vector<16xf32>
          %broadcast_in_dim3A_117 = vector.broadcast %jit3A_115 : f32 to vector<16xf32>
          %select_n3A_118 = arith.select %le3A, %broadcast_in_dim3A_116, %broadcast_in_dim3A_117 : vector<16xi1>, vector<16xf32>
          %add3A_119 = arith.addf %scan3A_111, %select_n3A_118 : vector<16xf32>
          %scan3A_120 = arith.constant 1 : i32
          %scan3A_121 = arith.addi %scan3A_110, %scan3A_120 : i32
          %mul3A_122 = arith.constant 16 : i32
          %mul3A_123 = arith.muli %scan3A_121, %mul3A_122 : i32
          %get3A_124 = arith.index_cast %mul3A_123 : i32 to index
          %get3A_125 = tpu.vector_load %arg5[%get3A_124] {strides = array<i32>} : memref<4096xf32, #tpu.memory_space<vmem>>, vector<16xf32>,
          %get3A_126 = vector.shape_cast %get3A_125 : vector<16xf32> to vector<16xf32>
          %le3A_127 = arith.cmpf ole, %get3A_126, %bitcast_convert_type3A_30 : vector<16xf32>
          %jit3A_128 = arith.constant 1.000000e+00 : f32
          %jit3A_129 = arith.constant 0.000000e+00 : f32
          %broadcast_in_dim3A_130 = vector.broadcast %jit3A_128 : f32 to vector<16xf32>
          %broadcast_in_dim3A_131 = vector.broadcast %jit3A_129 : f32 to vector<16xf32>
          %select_n3A_132 = arith.select %le3A_127, %broadcast_in_dim3A_130, %broadcast_in_dim3A_131 : vector<16xi1>, vector<16xf32>
          %add3A_133 = arith.addf %add3A_119, %select_n3A_132 : vector<16xf32>
          %scan3A_134 = arith.constant 2 : i32
          %scan3A_135 = arith.addi %scan3A_110, %scan3A_134 : i32
          %mul3A_136 = arith.constant 16 : i32
          %mul3A_137 = arith.muli %scan3A_135, %mul3A_136 : i32
          %get3A_138 = arith.index_cast %mul3A_137 : i32 to index
          %get3A_139 = tpu.vector_load %arg5[%get3A_138] {strides = array<i32>} : memref<4096xf32, #tpu.memory_space<vmem>>, vector<16xf32>,
          %get3A_140 = vector.shape_cast %get3A_139 : vector<16xf32> to vector<16xf32>
          %le3A_141 = arith.cmpf ole, %get3A_140, %bitcast_convert_type3A_30 : vector<16xf32>
          %jit3A_142 = arith.constant 1.000000e+00 : f32
          %jit3A_143 = arith.constant 0.000000e+00 : f32
          %broadcast_in_dim3A_144 = vector.broadcast %jit3A_142 : f32 to vector<16xf32>
          %broadcast_in_dim3A_145 = vector.broadcast %jit3A_143 : f32 to vector<16xf32>
          %select_n3A_146 = arith.select %le3A_141, %broadcast_in_dim3A_144, %broadcast_in_dim3A_145 : vector<16xi1>, vector<16xf32>
          %add3A_147 = arith.addf %add3A_133, %select_n3A_146 : vector<16xf32>
          %scan3A_148 = arith.constant 3 : i32
          %scan3A_149 = arith.addi %scan3A_110, %scan3A_148 : i32
          %mul3A_150 = arith.constant 16 : i32
          %mul3A_151 = arith.muli %scan3A_149, %mul3A_150 : i32
          %get3A_152 = arith.index_cast %mul3A_151 : i32 to index
          %get3A_153 = tpu.vector_load %arg5[%get3A_152] {strides = array<i32>} : memref<4096xf32, #tpu.memory_space<vmem>>, vector<16xf32>,
          %get3A_154 = vector.shape_cast %get3A_153 : vector<16xf32> to vector<16xf32>
          %le3A_155 = arith.cmpf ole, %get3A_154, %bitcast_convert_type3A_30 : vector<16xf32>
          %jit3A_156 = arith.constant 1.000000e+00 : f32
          %jit3A_157 = arith.constant 0.000000e+00 : f32
          %broadcast_in_dim3A_158 = vector.broadcast %jit3A_156 : f32 to vector<16xf32>
          %broadcast_in_dim3A_159 = vector.broadcast %jit3A_157 : f32 to vector<16xf32>
          %select_n3A_160 = arith.select %le3A_155, %broadcast_in_dim3A_158, %broadcast_in_dim3A_159 : vector<16xi1>, vector<16xf32>
          %add3A_161 = arith.addf %add3A_147, %select_n3A_160 : vector<16xf32>
          %scan3A_162 = arith.constant 4 : i32
          %scan3A_163 = arith.addi %scan3A_110, %scan3A_162 : i32
          %mul3A_164 = arith.constant 16 : i32
          %mul3A_165 = arith.muli %scan3A_163, %mul3A_164 : i32
          %get3A_166 = arith.index_cast %mul3A_165 : i32 to index
          %get3A_167 = tpu.vector_load %arg5[%get3A_166] {strides = array<i32>} : memref<4096xf32, #tpu.memory_space<vmem>>, vector<16xf32>,
          %get3A_168 = vector.shape_cast %get3A_167 : vector<16xf32> to vector<16xf32>
          %le3A_169 = arith.cmpf ole, %get3A_168, %bitcast_convert_type3A_30 : vector<16xf32>
          %jit3A_170 = arith.constant 1.000000e+00 : f32
          %jit3A_171 = arith.constant 0.000000e+00 : f32
          %broadcast_in_dim3A_172 = vector.broadcast %jit3A_170 : f32 to vector<16xf32>
          %broadcast_in_dim3A_173 = vector.broadcast %jit3A_171 : f32 to vector<16xf32>
          %select_n3A_174 = arith.select %le3A_169, %broadcast_in_dim3A_172, %broadcast_in_dim3A_173 : vector<16xi1>, vector<16xf32>
          %add3A_175 = arith.addf %add3A_161, %select_n3A_174 : vector<16xf32>
          %scan3A_176 = arith.constant 5 : i32
          %scan3A_177 = arith.addi %scan3A_110, %scan3A_176 : i32
          %mul3A_178 = arith.constant 16 : i32
          %mul3A_179 = arith.muli %scan3A_177, %mul3A_178 : i32
          %get3A_180 = arith.index_cast %mul3A_179 : i32 to index
          %get3A_181 = tpu.vector_load %arg5[%get3A_180] {strides = array<i32>} : memref<4096xf32, #tpu.memory_space<vmem>>, vector<16xf32>,
          %get3A_182 = vector.shape_cast %get3A_181 : vector<16xf32> to vector<16xf32>
          %le3A_183 = arith.cmpf ole, %get3A_182, %bitcast_convert_type3A_30 : vector<16xf32>
          %jit3A_184 = arith.constant 1.000000e+00 : f32
          %jit3A_185 = arith.constant 0.000000e+00 : f32
          %broadcast_in_dim3A_186 = vector.broadcast %jit3A_184 : f32 to vector<16xf32>
          %broadcast_in_dim3A_187 = vector.broadcast %jit3A_185 : f32 to vector<16xf32>
          %select_n3A_188 = arith.select %le3A_183, %broadcast_in_dim3A_186, %broadcast_in_dim3A_187 : vector<16xi1>, vector<16xf32>
          %add3A_189 = arith.addf %add3A_175, %select_n3A_188 : vector<16xf32>
          %scan3A_190 = arith.constant 6 : i32
          %scan3A_191 = arith.addi %scan3A_110, %scan3A_190 : i32
          %mul3A_192 = arith.constant 16 : i32
          %mul3A_193 = arith.muli %scan3A_191, %mul3A_192 : i32
          %get3A_194 = arith.index_cast %mul3A_193 : i32 to index
          %get3A_195 = tpu.vector_load %arg5[%get3A_194] {strides = array<i32>} : memref<4096xf32, #tpu.memory_space<vmem>>, vector<16xf32>,
          %get3A_196 = vector.shape_cast %get3A_195 : vector<16xf32> to vector<16xf32>
          %le3A_197 = arith.cmpf ole, %get3A_196, %bitcast_convert_type3A_30 : vector<16xf32>
          %jit3A_198 = arith.constant 1.000000e+00 : f32
          %jit3A_199 = arith.constant 0.000000e+00 : f32
          %broadcast_in_dim3A_200 = vector.broadcast %jit3A_198 : f32 to vector<16xf32>
          %broadcast_in_dim3A_201 = vector.broadcast %jit3A_199 : f32 to vector<16xf32>
          %select_n3A_202 = arith.select %le3A_197, %broadcast_in_dim3A_200, %broadcast_in_dim3A_201 : vector<16xi1>, vector<16xf32>
          %add3A_203 = arith.addf %add3A_189, %select_n3A_202 : vector<16xf32>
          %scan3A_204 = arith.constant 7 : i32
          %scan3A_205 = arith.addi %scan3A_110, %scan3A_204 : i32
          %mul3A_206 = arith.constant 16 : i32
          %mul3A_207 = arith.muli %scan3A_205, %mul3A_206 : i32
          %get3A_208 = arith.index_cast %mul3A_207 : i32 to index
          %get3A_209 = tpu.vector_load %arg5[%get3A_208] {strides = array<i32>} : memref<4096xf32, #tpu.memory_space<vmem>>, vector<16xf32>,
          %get3A_210 = vector.shape_cast %get3A_209 : vector<16xf32> to vector<16xf32>
          %le3A_211 = arith.cmpf ole, %get3A_210, %bitcast_convert_type3A_30 : vector<16xf32>
          %jit3A_212 = arith.constant 1.000000e+00 : f32
          %jit3A_213 = arith.constant 0.000000e+00 : f32
          %broadcast_in_dim3A_214 = vector.broadcast %jit3A_212 : f32 to vector<16xf32>
          %broadcast_in_dim3A_215 = vector.broadcast %jit3A_213 : f32 to vector<16xf32>
          %select_n3A_216 = arith.select %le3A_211, %broadcast_in_dim3A_214, %broadcast_in_dim3A_215 : vector<16xi1>, vector<16xf32>
          %add3A_217 = arith.addf %add3A_203, %select_n3A_216 : vector<16xf32>
          %scan3A_218 = arith.constant 8 : i32
          %scan3A_219 = arith.addi %scan3A_110, %scan3A_218 : i32
          %mul3A_220 = arith.constant 16 : i32
          %mul3A_221 = arith.muli %scan3A_219, %mul3A_220 : i32
          %get3A_222 = arith.index_cast %mul3A_221 : i32 to index
          %get3A_223 = tpu.vector_load %arg5[%get3A_222] {strides = array<i32>} : memref<4096xf32, #tpu.memory_space<vmem>>, vector<16xf32>,
          %get3A_224 = vector.shape_cast %get3A_223 : vector<16xf32> to vector<16xf32>
          %le3A_225 = arith.cmpf ole, %get3A_224, %bitcast_convert_type3A_30 : vector<16xf32>
          %jit3A_226 = arith.constant 1.000000e+00 : f32
          %jit3A_227 = arith.constant 0.000000e+00 : f32
          %broadcast_in_dim3A_228 = vector.broadcast %jit3A_226 : f32 to vector<16xf32>
          %broadcast_in_dim3A_229 = vector.broadcast %jit3A_227 : f32 to vector<16xf32>
          %select_n3A_230 = arith.select %le3A_225, %broadcast_in_dim3A_228, %broadcast_in_dim3A_229 : vector<16xi1>, vector<16xf32>
          %add3A_231 = arith.addf %add3A_217, %select_n3A_230 : vector<16xf32>
          %scan3A_232 = arith.constant 9 : i32
          %scan3A_233 = arith.addi %scan3A_110, %scan3A_232 : i32
          %mul3A_234 = arith.constant 16 : i32
          %mul3A_235 = arith.muli %scan3A_233, %mul3A_234 : i32
          %get3A_236 = arith.index_cast %mul3A_235 : i32 to index
          %get3A_237 = tpu.vector_load %arg5[%get3A_236] {strides = array<i32>} : memref<4096xf32, #tpu.memory_space<vmem>>, vector<16xf32>,
          %get3A_238 = vector.shape_cast %get3A_237 : vector<16xf32> to vector<16xf32>
          %le3A_239 = arith.cmpf ole, %get3A_238, %bitcast_convert_type3A_30 : vector<16xf32>
          %jit3A_240 = arith.constant 1.000000e+00 : f32
          %jit3A_241 = arith.constant 0.000000e+00 : f32
          %broadcast_in_dim3A_242 = vector.broadcast %jit3A_240 : f32 to vector<16xf32>
          %broadcast_in_dim3A_243 = vector.broadcast %jit3A_241 : f32 to vector<16xf32>
          %select_n3A_244 = arith.select %le3A_239, %broadcast_in_dim3A_242, %broadcast_in_dim3A_243 : vector<16xi1>, vector<16xf32>
          %add3A_245 = arith.addf %add3A_231, %select_n3A_244 : vector<16xf32>
          %scan3A_246 = arith.constant 10 : i32
          %scan3A_247 = arith.addi %scan3A_110, %scan3A_246 : i32
          %mul3A_248 = arith.constant 16 : i32
          %mul3A_249 = arith.muli %scan3A_247, %mul3A_248 : i32
          %get3A_250 = arith.index_cast %mul3A_249 : i32 to index
          %get3A_251 = tpu.vector_load %arg5[%get3A_250] {strides = array<i32>} : memref<4096xf32, #tpu.memory_space<vmem>>, vector<16xf32>,
          %get3A_252 = vector.shape_cast %get3A_251 : vector<16xf32> to vector<16xf32>
          %le3A_253 = arith.cmpf ole, %get3A_252, %bitcast_convert_type3A_30 : vector<16xf32>
          %jit3A_254 = arith.constant 1.000000e+00 : f32
          %jit3A_255 = arith.constant 0.000000e+00 : f32
          %broadcast_in_dim3A_256 = vector.broadcast %jit3A_254 : f32 to vector<16xf32>
          %broadcast_in_dim3A_257 = vector.broadcast %jit3A_255 : f32 to vector<16xf32>
          %select_n3A_258 = arith.select %le3A_253, %broadcast_in_dim3A_256, %broadcast_in_dim3A_257 : vector<16xi1>, vector<16xf32>
          %add3A_259 = arith.addf %add3A_245, %select_n3A_258 : vector<16xf32>
          %scan3A_260 = arith.constant 11 : i32
          %scan3A_261 = arith.addi %scan3A_110, %scan3A_260 : i32
          %mul3A_262 = arith.constant 16 : i32
          %mul3A_263 = arith.muli %scan3A_261, %mul3A_262 : i32
          %get3A_264 = arith.index_cast %mul3A_263 : i32 to index
          %get3A_265 = tpu.vector_load %arg5[%get3A_264] {strides = array<i32>} : memref<4096xf32, #tpu.memory_space<vmem>>, vector<16xf32>,
          %get3A_266 = vector.shape_cast %get3A_265 : vector<16xf32> to vector<16xf32>
          %le3A_267 = arith.cmpf ole, %get3A_266, %bitcast_convert_type3A_30 : vector<16xf32>
          %jit3A_268 = arith.constant 1.000000e+00 : f32
          %jit3A_269 = arith.constant 0.000000e+00 : f32
          %broadcast_in_dim3A_270 = vector.broadcast %jit3A_268 : f32 to vector<16xf32>
          %broadcast_in_dim3A_271 = vector.broadcast %jit3A_269 : f32 to vector<16xf32>
          %select_n3A_272 = arith.select %le3A_267, %broadcast_in_dim3A_270, %broadcast_in_dim3A_271 : vector<16xi1>, vector<16xf32>
          %add3A_273 = arith.addf %add3A_259, %select_n3A_272 : vector<16xf32>
          %scan3A_274 = arith.constant 12 : i32
          %scan3A_275 = arith.addi %scan3A_110, %scan3A_274 : i32
          %mul3A_276 = arith.constant 16 : i32
          %mul3A_277 = arith.muli %scan3A_275, %mul3A_276 : i32
          %get3A_278 = arith.index_cast %mul3A_277 : i32 to index
          %get3A_279 = tpu.vector_load %arg5[%get3A_278] {strides = array<i32>} : memref<4096xf32, #tpu.memory_space<vmem>>, vector<16xf32>,
          %get3A_280 = vector.shape_cast %get3A_279 : vector<16xf32> to vector<16xf32>
          %le3A_281 = arith.cmpf ole, %get3A_280, %bitcast_convert_type3A_30 : vector<16xf32>
          %jit3A_282 = arith.constant 1.000000e+00 : f32
          %jit3A_283 = arith.constant 0.000000e+00 : f32
          %broadcast_in_dim3A_284 = vector.broadcast %jit3A_282 : f32 to vector<16xf32>
          %broadcast_in_dim3A_285 = vector.broadcast %jit3A_283 : f32 to vector<16xf32>
          %select_n3A_286 = arith.select %le3A_281, %broadcast_in_dim3A_284, %broadcast_in_dim3A_285 : vector<16xi1>, vector<16xf32>
          %add3A_287 = arith.addf %add3A_273, %select_n3A_286 : vector<16xf32>
          %scan3A_288 = arith.constant 13 : i32
          %scan3A_289 = arith.addi %scan3A_110, %scan3A_288 : i32
          %mul3A_290 = arith.constant 16 : i32
          %mul3A_291 = arith.muli %scan3A_289, %mul3A_290 : i32
          %get3A_292 = arith.index_cast %mul3A_291 : i32 to index
          %get3A_293 = tpu.vector_load %arg5[%get3A_292] {strides = array<i32>} : memref<4096xf32, #tpu.memory_space<vmem>>, vector<16xf32>,
          %get3A_294 = vector.shape_cast %get3A_293 : vector<16xf32> to vector<16xf32>
          %le3A_295 = arith.cmpf ole, %get3A_294, %bitcast_convert_type3A_30 : vector<16xf32>
          %jit3A_296 = arith.constant 1.000000e+00 : f32
          %jit3A_297 = arith.constant 0.000000e+00 : f32
          %broadcast_in_dim3A_298 = vector.broadcast %jit3A_296 : f32 to vector<16xf32>
          %broadcast_in_dim3A_299 = vector.broadcast %jit3A_297 : f32 to vector<16xf32>
          %select_n3A_300 = arith.select %le3A_295, %broadcast_in_dim3A_298, %broadcast_in_dim3A_299 : vector<16xi1>, vector<16xf32>
          %add3A_301 = arith.addf %add3A_287, %select_n3A_300 : vector<16xf32>
          %scan3A_302 = arith.constant 14 : i32
          %scan3A_303 = arith.addi %scan3A_110, %scan3A_302 : i32
          %mul3A_304 = arith.constant 16 : i32
          %mul3A_305 = arith.muli %scan3A_303, %mul3A_304 : i32
          %get3A_306 = arith.index_cast %mul3A_305 : i32 to index
          %get3A_307 = tpu.vector_load %arg5[%get3A_306] {strides = array<i32>} : memref<4096xf32, #tpu.memory_space<vmem>>, vector<16xf32>,
          %get3A_308 = vector.shape_cast %get3A_307 : vector<16xf32> to vector<16xf32>
          %le3A_309 = arith.cmpf ole, %get3A_308, %bitcast_convert_type3A_30 : vector<16xf32>
          %jit3A_310 = arith.constant 1.000000e+00 : f32
          %jit3A_311 = arith.constant 0.000000e+00 : f32
          %broadcast_in_dim3A_312 = vector.broadcast %jit3A_310 : f32 to vector<16xf32>
          %broadcast_in_dim3A_313 = vector.broadcast %jit3A_311 : f32 to vector<16xf32>
          %select_n3A_314 = arith.select %le3A_309, %broadcast_in_dim3A_312, %broadcast_in_dim3A_313 : vector<16xi1>, vector<16xf32>
          %add3A_315 = arith.addf %add3A_301, %select_n3A_314 : vector<16xf32>
          %scan3A_316 = arith.constant 15 : i32
          %scan3A_317 = arith.addi %scan3A_110, %scan3A_316 : i32
          %mul3A_318 = arith.constant 16 : i32
          %mul3A_319 = arith.muli %scan3A_317, %mul3A_318 : i32
          %get3A_320 = arith.index_cast %mul3A_319 : i32 to index
          %get3A_321 = tpu.vector_load %arg5[%get3A_320] {strides = array<i32>} : memref<4096xf32, #tpu.memory_space<vmem>>, vector<16xf32>,
          %get3A_322 = vector.shape_cast %get3A_321 : vector<16xf32> to vector<16xf32>
          %le3A_323 = arith.cmpf ole, %get3A_322, %bitcast_convert_type3A_30 : vector<16xf32>
          %jit3A_324 = arith.constant 1.000000e+00 : f32
          %jit3A_325 = arith.constant 0.000000e+00 : f32
          %broadcast_in_dim3A_326 = vector.broadcast %jit3A_324 : f32 to vector<16xf32>
          %broadcast_in_dim3A_327 = vector.broadcast %jit3A_325 : f32 to vector<16xf32>
          %select_n3A_328 = arith.select %le3A_323, %broadcast_in_dim3A_326, %broadcast_in_dim3A_327 : vector<16xi1>, vector<16xf32>
          %add3A_329 = arith.addf %add3A_315, %select_n3A_328 : vector<16xf32>
          scf.yield %add3A_329 : vector<16xf32>
        }
        %scan3A_38 = arith.constant 256 : i32
        %xor3A = arith.constant 8 : i32
        %xor3A_39 = vector.broadcast %xor3A : i32 to vector<16xi32>
        %xor3A_40 = arith.xori %iota3A, %xor3A_39 : vector<16xi32>
        %broadcast_in_dim3A_41 = vector.shape_cast %xor3A_40 : vector<16xi32> to vector<16x1xi32>
        %gather3A = vector.shape_cast %broadcast_in_dim3A_41 : vector<16x1xi32> to vector<16xi32>
        %gather3A_42 = tpu.dynamic_gather %scan3A_37[%gather3A] in [0] : vector<16xf32>, vector<16xi32> -> vector<16xf32>
        %add3A_43 = arith.addf %scan3A_37, %gather3A_42 : vector<16xf32>
        %xor3A_44 = arith.constant 4 : i32
        %xor3A_45 = vector.broadcast %xor3A_44 : i32 to vector<16xi32>
        %xor3A_46 = arith.xori %iota3A, %xor3A_45 : vector<16xi32>
        %broadcast_in_dim3A_47 = vector.shape_cast %xor3A_46 : vector<16xi32> to vector<16x1xi32>
        %gather3A_48 = vector.shape_cast %broadcast_in_dim3A_47 : vector<16x1xi32> to vector<16xi32>
        %gather3A_49 = tpu.dynamic_gather %add3A_43[%gather3A_48] in [0] : vector<16xf32>, vector<16xi32> -> vector<16xf32>
        %add3A_50 = arith.addf %add3A_43, %gather3A_49 : vector<16xf32>
        %xor3A_51 = arith.constant 2 : i32
        %xor3A_52 = vector.broadcast %xor3A_51 : i32 to vector<16xi32>
        %xor3A_53 = arith.xori %iota3A, %xor3A_52 : vector<16xi32>
        %broadcast_in_dim3A_54 = vector.shape_cast %xor3A_53 : vector<16xi32> to vector<16x1xi32>
        %gather3A_55 = vector.shape_cast %broadcast_in_dim3A_54 : vector<16x1xi32> to vector<16xi32>
        %gather3A_56 = tpu.dynamic_gather %add3A_50[%gather3A_55] in [0] : vector<16xf32>, vector<16xi32> -> vector<16xf32>
        %add3A_57 = arith.addf %add3A_50, %gather3A_56 : vector<16xf32>
        %xor3A_58 = arith.constant 1 : i32
        %xor3A_59 = vector.broadcast %xor3A_58 : i32 to vector<16xi32>
        %xor3A_60 = arith.xori %iota3A, %xor3A_59 : vector<16xi32>
        %broadcast_in_dim3A_61 = vector.shape_cast %xor3A_60 : vector<16xi32> to vector<16x1xi32>
        %gather3A_62 = vector.shape_cast %broadcast_in_dim3A_61 : vector<16x1xi32> to vector<16xi32>
        %gather3A_63 = tpu.dynamic_gather %add3A_57[%gather3A_62] in [0] : vector<16xf32>, vector<16xi32> -> vector<16xf32>
        %add3A_64 = arith.addf %add3A_57, %gather3A_63 : vector<16xf32>
        %ge3A = arith.constant 1.366000e+03 : f32
        %ge3A_65 = vector.broadcast %ge3A : f32 to vector<16xf32>
        %ge3A_66 = arith.cmpf oge, %add3A_64, %ge3A_65 : vector<16xf32>
        %bitcast_convert_type3A_67 = tpu.bitcast %shift_right_arithmetic3A_29 : vector<16xi32> -> vector<16xf32>
        %broadcast_in_dim3A_68 = arith.constant 0.000000e+00 : f32
        %broadcast_in_dim3A_69 = vector.broadcast %broadcast_in_dim3A_68 : f32 to vector<16xf32>
        %scan3A_70 = arith.constant 0 : i32
        %scan3A_71 = arith.constant 256 : i32
        %scan3A_72 = arith.addi %scan3A_70, %scan3A_71 : i32
        %scan3A_73 = arith.constant 16 : i32
        %scan3A_74 = scf.for %scan3A_110 = %scan3A_70 to %scan3A_72 step %scan3A_73 iter_args(%scan3A_111 = %broadcast_in_dim3A_69) -> (vector<16xf32>)  : i32 {
          %mul3A = arith.constant 16 : i32
          %mul3A_112 = arith.muli %scan3A_110, %mul3A : i32
          %get3A = arith.index_cast %mul3A_112 : i32 to index
          %get3A_113 = tpu.vector_load %arg5[%get3A] {strides = array<i32>} : memref<4096xf32, #tpu.memory_space<vmem>>, vector<16xf32>,
          %get3A_114 = vector.shape_cast %get3A_113 : vector<16xf32> to vector<16xf32>
          %le3A = arith.cmpf ole, %get3A_114, %bitcast_convert_type3A_67 : vector<16xf32>
          %jit3A = arith.constant 1.000000e+00 : f32
          %jit3A_115 = arith.constant 0.000000e+00 : f32
          %broadcast_in_dim3A_116 = vector.broadcast %jit3A : f32 to vector<16xf32>
          %broadcast_in_dim3A_117 = vector.broadcast %jit3A_115 : f32 to vector<16xf32>
          %select_n3A_118 = arith.select %le3A, %broadcast_in_dim3A_116, %broadcast_in_dim3A_117 : vector<16xi1>, vector<16xf32>
          %add3A_119 = arith.addf %scan3A_111, %select_n3A_118 : vector<16xf32>
          %scan3A_120 = arith.constant 1 : i32
          %scan3A_121 = arith.addi %scan3A_110, %scan3A_120 : i32
          %mul3A_122 = arith.constant 16 : i32
          %mul3A_123 = arith.muli %scan3A_121, %mul3A_122 : i32
          %get3A_124 = arith.index_cast %mul3A_123 : i32 to index
          %get3A_125 = tpu.vector_load %arg5[%get3A_124] {strides = array<i32>} : memref<4096xf32, #tpu.memory_space<vmem>>, vector<16xf32>,
          %get3A_126 = vector.shape_cast %get3A_125 : vector<16xf32> to vector<16xf32>
          %le3A_127 = arith.cmpf ole, %get3A_126, %bitcast_convert_type3A_67 : vector<16xf32>
          %jit3A_128 = arith.constant 1.000000e+00 : f32
          %jit3A_129 = arith.constant 0.000000e+00 : f32
          %broadcast_in_dim3A_130 = vector.broadcast %jit3A_128 : f32 to vector<16xf32>
          %broadcast_in_dim3A_131 = vector.broadcast %jit3A_129 : f32 to vector<16xf32>
          %select_n3A_132 = arith.select %le3A_127, %broadcast_in_dim3A_130, %broadcast_in_dim3A_131 : vector<16xi1>, vector<16xf32>
          %add3A_133 = arith.addf %add3A_119, %select_n3A_132 : vector<16xf32>
          %scan3A_134 = arith.constant 2 : i32
          %scan3A_135 = arith.addi %scan3A_110, %scan3A_134 : i32
          %mul3A_136 = arith.constant 16 : i32
          %mul3A_137 = arith.muli %scan3A_135, %mul3A_136 : i32
          %get3A_138 = arith.index_cast %mul3A_137 : i32 to index
          %get3A_139 = tpu.vector_load %arg5[%get3A_138] {strides = array<i32>} : memref<4096xf32, #tpu.memory_space<vmem>>, vector<16xf32>,
          %get3A_140 = vector.shape_cast %get3A_139 : vector<16xf32> to vector<16xf32>
          %le3A_141 = arith.cmpf ole, %get3A_140, %bitcast_convert_type3A_67 : vector<16xf32>
          %jit3A_142 = arith.constant 1.000000e+00 : f32
          %jit3A_143 = arith.constant 0.000000e+00 : f32
          %broadcast_in_dim3A_144 = vector.broadcast %jit3A_142 : f32 to vector<16xf32>
          %broadcast_in_dim3A_145 = vector.broadcast %jit3A_143 : f32 to vector<16xf32>
          %select_n3A_146 = arith.select %le3A_141, %broadcast_in_dim3A_144, %broadcast_in_dim3A_145 : vector<16xi1>, vector<16xf32>
          %add3A_147 = arith.addf %add3A_133, %select_n3A_146 : vector<16xf32>
          %scan3A_148 = arith.constant 3 : i32
          %scan3A_149 = arith.addi %scan3A_110, %scan3A_148 : i32
          %mul3A_150 = arith.constant 16 : i32
          %mul3A_151 = arith.muli %scan3A_149, %mul3A_150 : i32
          %get3A_152 = arith.index_cast %mul3A_151 : i32 to index
          %get3A_153 = tpu.vector_load %arg5[%get3A_152] {strides = array<i32>} : memref<4096xf32, #tpu.memory_space<vmem>>, vector<16xf32>,
          %get3A_154 = vector.shape_cast %get3A_153 : vector<16xf32> to vector<16xf32>
          %le3A_155 = arith.cmpf ole, %get3A_154, %bitcast_convert_type3A_67 : vector<16xf32>
          %jit3A_156 = arith.constant 1.000000e+00 : f32
          %jit3A_157 = arith.constant 0.000000e+00 : f32
          %broadcast_in_dim3A_158 = vector.broadcast %jit3A_156 : f32 to vector<16xf32>
          %broadcast_in_dim3A_159 = vector.broadcast %jit3A_157 : f32 to vector<16xf32>
          %select_n3A_160 = arith.select %le3A_155, %broadcast_in_dim3A_158, %broadcast_in_dim3A_159 : vector<16xi1>, vector<16xf32>
          %add3A_161 = arith.addf %add3A_147, %select_n3A_160 : vector<16xf32>
          %scan3A_162 = arith.constant 4 : i32
          %scan3A_163 = arith.addi %scan3A_110, %scan3A_162 : i32
          %mul3A_164 = arith.constant 16 : i32
          %mul3A_165 = arith.muli %scan3A_163, %mul3A_164 : i32
          %get3A_166 = arith.index_cast %mul3A_165 : i32 to index
          %get3A_167 = tpu.vector_load %arg5[%get3A_166] {strides = array<i32>} : memref<4096xf32, #tpu.memory_space<vmem>>, vector<16xf32>,
          %get3A_168 = vector.shape_cast %get3A_167 : vector<16xf32> to vector<16xf32>
          %le3A_169 = arith.cmpf ole, %get3A_168, %bitcast_convert_type3A_67 : vector<16xf32>
          %jit3A_170 = arith.constant 1.000000e+00 : f32
          %jit3A_171 = arith.constant 0.000000e+00 : f32
          %broadcast_in_dim3A_172 = vector.broadcast %jit3A_170 : f32 to vector<16xf32>
          %broadcast_in_dim3A_173 = vector.broadcast %jit3A_171 : f32 to vector<16xf32>
          %select_n3A_174 = arith.select %le3A_169, %broadcast_in_dim3A_172, %broadcast_in_dim3A_173 : vector<16xi1>, vector<16xf32>
          %add3A_175 = arith.addf %add3A_161, %select_n3A_174 : vector<16xf32>
          %scan3A_176 = arith.constant 5 : i32
          %scan3A_177 = arith.addi %scan3A_110, %scan3A_176 : i32
          %mul3A_178 = arith.constant 16 : i32
          %mul3A_179 = arith.muli %scan3A_177, %mul3A_178 : i32
          %get3A_180 = arith.index_cast %mul3A_179 : i32 to index
          %get3A_181 = tpu.vector_load %arg5[%get3A_180] {strides = array<i32>} : memref<4096xf32, #tpu.memory_space<vmem>>, vector<16xf32>,
          %get3A_182 = vector.shape_cast %get3A_181 : vector<16xf32> to vector<16xf32>
          %le3A_183 = arith.cmpf ole, %get3A_182, %bitcast_convert_type3A_67 : vector<16xf32>
          %jit3A_184 = arith.constant 1.000000e+00 : f32
          %jit3A_185 = arith.constant 0.000000e+00 : f32
          %broadcast_in_dim3A_186 = vector.broadcast %jit3A_184 : f32 to vector<16xf32>
          %broadcast_in_dim3A_187 = vector.broadcast %jit3A_185 : f32 to vector<16xf32>
          %select_n3A_188 = arith.select %le3A_183, %broadcast_in_dim3A_186, %broadcast_in_dim3A_187 : vector<16xi1>, vector<16xf32>
          %add3A_189 = arith.addf %add3A_175, %select_n3A_188 : vector<16xf32>
          %scan3A_190 = arith.constant 6 : i32
          %scan3A_191 = arith.addi %scan3A_110, %scan3A_190 : i32
          %mul3A_192 = arith.constant 16 : i32
          %mul3A_193 = arith.muli %scan3A_191, %mul3A_192 : i32
          %get3A_194 = arith.index_cast %mul3A_193 : i32 to index
          %get3A_195 = tpu.vector_load %arg5[%get3A_194] {strides = array<i32>} : memref<4096xf32, #tpu.memory_space<vmem>>, vector<16xf32>,
          %get3A_196 = vector.shape_cast %get3A_195 : vector<16xf32> to vector<16xf32>
          %le3A_197 = arith.cmpf ole, %get3A_196, %bitcast_convert_type3A_67 : vector<16xf32>
          %jit3A_198 = arith.constant 1.000000e+00 : f32
          %jit3A_199 = arith.constant 0.000000e+00 : f32
          %broadcast_in_dim3A_200 = vector.broadcast %jit3A_198 : f32 to vector<16xf32>
          %broadcast_in_dim3A_201 = vector.broadcast %jit3A_199 : f32 to vector<16xf32>
          %select_n3A_202 = arith.select %le3A_197, %broadcast_in_dim3A_200, %broadcast_in_dim3A_201 : vector<16xi1>, vector<16xf32>
          %add3A_203 = arith.addf %add3A_189, %select_n3A_202 : vector<16xf32>
          %scan3A_204 = arith.constant 7 : i32
          %scan3A_205 = arith.addi %scan3A_110, %scan3A_204 : i32
          %mul3A_206 = arith.constant 16 : i32
          %mul3A_207 = arith.muli %scan3A_205, %mul3A_206 : i32
          %get3A_208 = arith.index_cast %mul3A_207 : i32 to index
          %get3A_209 = tpu.vector_load %arg5[%get3A_208] {strides = array<i32>} : memref<4096xf32, #tpu.memory_space<vmem>>, vector<16xf32>,
          %get3A_210 = vector.shape_cast %get3A_209 : vector<16xf32> to vector<16xf32>
          %le3A_211 = arith.cmpf ole, %get3A_210, %bitcast_convert_type3A_67 : vector<16xf32>
          %jit3A_212 = arith.constant 1.000000e+00 : f32
          %jit3A_213 = arith.constant 0.000000e+00 : f32
          %broadcast_in_dim3A_214 = vector.broadcast %jit3A_212 : f32 to vector<16xf32>
          %broadcast_in_dim3A_215 = vector.broadcast %jit3A_213 : f32 to vector<16xf32>
          %select_n3A_216 = arith.select %le3A_211, %broadcast_in_dim3A_214, %broadcast_in_dim3A_215 : vector<16xi1>, vector<16xf32>
          %add3A_217 = arith.addf %add3A_203, %select_n3A_216 : vector<16xf32>
          %scan3A_218 = arith.constant 8 : i32
          %scan3A_219 = arith.addi %scan3A_110, %scan3A_218 : i32
          %mul3A_220 = arith.constant 16 : i32
          %mul3A_221 = arith.muli %scan3A_219, %mul3A_220 : i32
          %get3A_222 = arith.index_cast %mul3A_221 : i32 to index
          %get3A_223 = tpu.vector_load %arg5[%get3A_222] {strides = array<i32>} : memref<4096xf32, #tpu.memory_space<vmem>>, vector<16xf32>,
          %get3A_224 = vector.shape_cast %get3A_223 : vector<16xf32> to vector<16xf32>
          %le3A_225 = arith.cmpf ole, %get3A_224, %bitcast_convert_type3A_67 : vector<16xf32>
          %jit3A_226 = arith.constant 1.000000e+00 : f32
          %jit3A_227 = arith.constant 0.000000e+00 : f32
          %broadcast_in_dim3A_228 = vector.broadcast %jit3A_226 : f32 to vector<16xf32>
          %broadcast_in_dim3A_229 = vector.broadcast %jit3A_227 : f32 to vector<16xf32>
          %select_n3A_230 = arith.select %le3A_225, %broadcast_in_dim3A_228, %broadcast_in_dim3A_229 : vector<16xi1>, vector<16xf32>
          %add3A_231 = arith.addf %add3A_217, %select_n3A_230 : vector<16xf32>
          %scan3A_232 = arith.constant 9 : i32
          %scan3A_233 = arith.addi %scan3A_110, %scan3A_232 : i32
          %mul3A_234 = arith.constant 16 : i32
          %mul3A_235 = arith.muli %scan3A_233, %mul3A_234 : i32
          %get3A_236 = arith.index_cast %mul3A_235 : i32 to index
          %get3A_237 = tpu.vector_load %arg5[%get3A_236] {strides = array<i32>} : memref<4096xf32, #tpu.memory_space<vmem>>, vector<16xf32>,
          %get3A_238 = vector.shape_cast %get3A_237 : vector<16xf32> to vector<16xf32>
          %le3A_239 = arith.cmpf ole, %get3A_238, %bitcast_convert_type3A_67 : vector<16xf32>
          %jit3A_240 = arith.constant 1.000000e+00 : f32
          %jit3A_241 = arith.constant 0.000000e+00 : f32
          %broadcast_in_dim3A_242 = vector.broadcast %jit3A_240 : f32 to vector<16xf32>
          %broadcast_in_dim3A_243 = vector.broadcast %jit3A_241 : f32 to vector<16xf32>
          %select_n3A_244 = arith.select %le3A_239, %broadcast_in_dim3A_242, %broadcast_in_dim3A_243 : vector<16xi1>, vector<16xf32>
          %add3A_245 = arith.addf %add3A_231, %select_n3A_244 : vector<16xf32>
          %scan3A_246 = arith.constant 10 : i32
          %scan3A_247 = arith.addi %scan3A_110, %scan3A_246 : i32
          %mul3A_248 = arith.constant 16 : i32
          %mul3A_249 = arith.muli %scan3A_247, %mul3A_248 : i32
          %get3A_250 = arith.index_cast %mul3A_249 : i32 to index
          %get3A_251 = tpu.vector_load %arg5[%get3A_250] {strides = array<i32>} : memref<4096xf32, #tpu.memory_space<vmem>>, vector<16xf32>,
          %get3A_252 = vector.shape_cast %get3A_251 : vector<16xf32> to vector<16xf32>
          %le3A_253 = arith.cmpf ole, %get3A_252, %bitcast_convert_type3A_67 : vector<16xf32>
          %jit3A_254 = arith.constant 1.000000e+00 : f32
          %jit3A_255 = arith.constant 0.000000e+00 : f32
          %broadcast_in_dim3A_256 = vector.broadcast %jit3A_254 : f32 to vector<16xf32>
          %broadcast_in_dim3A_257 = vector.broadcast %jit3A_255 : f32 to vector<16xf32>
          %select_n3A_258 = arith.select %le3A_253, %broadcast_in_dim3A_256, %broadcast_in_dim3A_257 : vector<16xi1>, vector<16xf32>
          %add3A_259 = arith.addf %add3A_245, %select_n3A_258 : vector<16xf32>
          %scan3A_260 = arith.constant 11 : i32
          %scan3A_261 = arith.addi %scan3A_110, %scan3A_260 : i32
          %mul3A_262 = arith.constant 16 : i32
          %mul3A_263 = arith.muli %scan3A_261, %mul3A_262 : i32
          %get3A_264 = arith.index_cast %mul3A_263 : i32 to index
          %get3A_265 = tpu.vector_load %arg5[%get3A_264] {strides = array<i32>} : memref<4096xf32, #tpu.memory_space<vmem>>, vector<16xf32>,
          %get3A_266 = vector.shape_cast %get3A_265 : vector<16xf32> to vector<16xf32>
          %le3A_267 = arith.cmpf ole, %get3A_266, %bitcast_convert_type3A_67 : vector<16xf32>
          %jit3A_268 = arith.constant 1.000000e+00 : f32
          %jit3A_269 = arith.constant 0.000000e+00 : f32
          %broadcast_in_dim3A_270 = vector.broadcast %jit3A_268 : f32 to vector<16xf32>
          %broadcast_in_dim3A_271 = vector.broadcast %jit3A_269 : f32 to vector<16xf32>
          %select_n3A_272 = arith.select %le3A_267, %broadcast_in_dim3A_270, %broadcast_in_dim3A_271 : vector<16xi1>, vector<16xf32>
          %add3A_273 = arith.addf %add3A_259, %select_n3A_272 : vector<16xf32>
          %scan3A_274 = arith.constant 12 : i32
          %scan3A_275 = arith.addi %scan3A_110, %scan3A_274 : i32
          %mul3A_276 = arith.constant 16 : i32
          %mul3A_277 = arith.muli %scan3A_275, %mul3A_276 : i32
          %get3A_278 = arith.index_cast %mul3A_277 : i32 to index
          %get3A_279 = tpu.vector_load %arg5[%get3A_278] {strides = array<i32>} : memref<4096xf32, #tpu.memory_space<vmem>>, vector<16xf32>,
          %get3A_280 = vector.shape_cast %get3A_279 : vector<16xf32> to vector<16xf32>
          %le3A_281 = arith.cmpf ole, %get3A_280, %bitcast_convert_type3A_67 : vector<16xf32>
          %jit3A_282 = arith.constant 1.000000e+00 : f32
          %jit3A_283 = arith.constant 0.000000e+00 : f32
          %broadcast_in_dim3A_284 = vector.broadcast %jit3A_282 : f32 to vector<16xf32>
          %broadcast_in_dim3A_285 = vector.broadcast %jit3A_283 : f32 to vector<16xf32>
          %select_n3A_286 = arith.select %le3A_281, %broadcast_in_dim3A_284, %broadcast_in_dim3A_285 : vector<16xi1>, vector<16xf32>
          %add3A_287 = arith.addf %add3A_273, %select_n3A_286 : vector<16xf32>
          %scan3A_288 = arith.constant 13 : i32
          %scan3A_289 = arith.addi %scan3A_110, %scan3A_288 : i32
          %mul3A_290 = arith.constant 16 : i32
          %mul3A_291 = arith.muli %scan3A_289, %mul3A_290 : i32
          %get3A_292 = arith.index_cast %mul3A_291 : i32 to index
          %get3A_293 = tpu.vector_load %arg5[%get3A_292] {strides = array<i32>} : memref<4096xf32, #tpu.memory_space<vmem>>, vector<16xf32>,
          %get3A_294 = vector.shape_cast %get3A_293 : vector<16xf32> to vector<16xf32>
          %le3A_295 = arith.cmpf ole, %get3A_294, %bitcast_convert_type3A_67 : vector<16xf32>
          %jit3A_296 = arith.constant 1.000000e+00 : f32
          %jit3A_297 = arith.constant 0.000000e+00 : f32
          %broadcast_in_dim3A_298 = vector.broadcast %jit3A_296 : f32 to vector<16xf32>
          %broadcast_in_dim3A_299 = vector.broadcast %jit3A_297 : f32 to vector<16xf32>
          %select_n3A_300 = arith.select %le3A_295, %broadcast_in_dim3A_298, %broadcast_in_dim3A_299 : vector<16xi1>, vector<16xf32>
          %add3A_301 = arith.addf %add3A_287, %select_n3A_300 : vector<16xf32>
          %scan3A_302 = arith.constant 14 : i32
          %scan3A_303 = arith.addi %scan3A_110, %scan3A_302 : i32
          %mul3A_304 = arith.constant 16 : i32
          %mul3A_305 = arith.muli %scan3A_303, %mul3A_304 : i32
          %get3A_306 = arith.index_cast %mul3A_305 : i32 to index
          %get3A_307 = tpu.vector_load %arg5[%get3A_306] {strides = array<i32>} : memref<4096xf32, #tpu.memory_space<vmem>>, vector<16xf32>,
          %get3A_308 = vector.shape_cast %get3A_307 : vector<16xf32> to vector<16xf32>
          %le3A_309 = arith.cmpf ole, %get3A_308, %bitcast_convert_type3A_67 : vector<16xf32>
          %jit3A_310 = arith.constant 1.000000e+00 : f32
          %jit3A_311 = arith.constant 0.000000e+00 : f32
          %broadcast_in_dim3A_312 = vector.broadcast %jit3A_310 : f32 to vector<16xf32>
          %broadcast_in_dim3A_313 = vector.broadcast %jit3A_311 : f32 to vector<16xf32>
          %select_n3A_314 = arith.select %le3A_309, %broadcast_in_dim3A_312, %broadcast_in_dim3A_313 : vector<16xi1>, vector<16xf32>
          %add3A_315 = arith.addf %add3A_301, %select_n3A_314 : vector<16xf32>
          %scan3A_316 = arith.constant 15 : i32
          %scan3A_317 = arith.addi %scan3A_110, %scan3A_316 : i32
          %mul3A_318 = arith.constant 16 : i32
          %mul3A_319 = arith.muli %scan3A_317, %mul3A_318 : i32
          %get3A_320 = arith.index_cast %mul3A_319 : i32 to index
          %get3A_321 = tpu.vector_load %arg5[%get3A_320] {strides = array<i32>} : memref<4096xf32, #tpu.memory_space<vmem>>, vector<16xf32>,
          %get3A_322 = vector.shape_cast %get3A_321 : vector<16xf32> to vector<16xf32>
          %le3A_323 = arith.cmpf ole, %get3A_322, %bitcast_convert_type3A_67 : vector<16xf32>
          %jit3A_324 = arith.constant 1.000000e+00 : f32
          %jit3A_325 = arith.constant 0.000000e+00 : f32
          %broadcast_in_dim3A_326 = vector.broadcast %jit3A_324 : f32 to vector<16xf32>
          %broadcast_in_dim3A_327 = vector.broadcast %jit3A_325 : f32 to vector<16xf32>
          %select_n3A_328 = arith.select %le3A_323, %broadcast_in_dim3A_326, %broadcast_in_dim3A_327 : vector<16xi1>, vector<16xf32>
          %add3A_329 = arith.addf %add3A_315, %select_n3A_328 : vector<16xf32>
          scf.yield %add3A_329 : vector<16xf32>
        }
        %scan3A_75 = arith.constant 256 : i32
        %xor3A_76 = arith.constant 8 : i32
        %xor3A_77 = vector.broadcast %xor3A_76 : i32 to vector<16xi32>
        %xor3A_78 = arith.xori %iota3A, %xor3A_77 : vector<16xi32>
        %broadcast_in_dim3A_79 = vector.shape_cast %xor3A_78 : vector<16xi32> to vector<16x1xi32>
        %gather3A_80 = vector.shape_cast %broadcast_in_dim3A_79 : vector<16x1xi32> to vector<16xi32>
        %gather3A_81 = tpu.dynamic_gather %scan3A_74[%gather3A_80] in [0] : vector<16xf32>, vector<16xi32> -> vector<16xf32>
        %add3A_82 = arith.addf %scan3A_74, %gather3A_81 : vector<16xf32>
        %xor3A_83 = arith.constant 4 : i32
        %xor3A_84 = vector.broadcast %xor3A_83 : i32 to vector<16xi32>
        %xor3A_85 = arith.xori %iota3A, %xor3A_84 : vector<16xi32>
        %broadcast_in_dim3A_86 = vector.shape_cast %xor3A_85 : vector<16xi32> to vector<16x1xi32>
        %gather3A_87 = vector.shape_cast %broadcast_in_dim3A_86 : vector<16x1xi32> to vector<16xi32>
        %gather3A_88 = tpu.dynamic_gather %add3A_82[%gather3A_87] in [0] : vector<16xf32>, vector<16xi32> -> vector<16xf32>
        %add3A_89 = arith.addf %add3A_82, %gather3A_88 : vector<16xf32>
        %xor3A_90 = arith.constant 2 : i32
        %xor3A_91 = vector.broadcast %xor3A_90 : i32 to vector<16xi32>
        %xor3A_92 = arith.xori %iota3A, %xor3A_91 : vector<16xi32>
        %broadcast_in_dim3A_93 = vector.shape_cast %xor3A_92 : vector<16xi32> to vector<16x1xi32>
        %gather3A_94 = vector.shape_cast %broadcast_in_dim3A_93 : vector<16x1xi32> to vector<16xi32>
        %gather3A_95 = tpu.dynamic_gather %add3A_89[%gather3A_94] in [0] : vector<16xf32>, vector<16xi32> -> vector<16xf32>
        %add3A_96 = arith.addf %add3A_89, %gather3A_95 : vector<16xf32>
        %xor3A_97 = arith.constant 1 : i32
        %xor3A_98 = vector.broadcast %xor3A_97 : i32 to vector<16xi32>
        %xor3A_99 = arith.xori %iota3A, %xor3A_98 : vector<16xi32>
        %broadcast_in_dim3A_100 = vector.shape_cast %xor3A_99 : vector<16xi32> to vector<16x1xi32>
        %gather3A_101 = vector.shape_cast %broadcast_in_dim3A_100 : vector<16x1xi32> to vector<16xi32>
        %gather3A_102 = tpu.dynamic_gather %add3A_96[%gather3A_101] in [0] : vector<16xf32>, vector<16xi32> -> vector<16xf32>
        %add3A_103 = arith.addf %add3A_96, %gather3A_102 : vector<16xf32>
        %ge3A_104 = arith.constant 2.731000e+03 : f32
        %ge3A_105 = vector.broadcast %ge3A_104 : f32 to vector<16xf32>
        %ge3A_106 = arith.cmpf oge, %add3A_103, %ge3A_105 : vector<16xf32>
        %select_n3A = arith.select %ge3A_66, %scan3A_20, %shift_right_arithmetic3A_25 : vector<16xi1>, vector<16xi32>
        %select_n3A_107 = arith.select %ge3A_66, %shift_right_arithmetic3A_25, %scan3A_21 : vector<16xi1>, vector<16xi32>
        %select_n3A_108 = arith.select %ge3A_106, %scan3A_22, %shift_right_arithmetic3A_29 : vector<16xi1>, vector<16xi32>
        %select_n3A_109 = arith.select %ge3A_106, %shift_right_arithmetic3A_29, %scan3A_23 : vector<16xi1>, vector<16xi32>
        scf.yield %select_n3A, %select_n3A_107, %select_n3A_108, %select_n3A_109 : vector<16xi32>, vector<16xi32>, vector<16xi32>, vector<16xi32>
      }
      %scan3A_11 = arith.constant 32 : i32
      %bitcast_convert_type3A = tpu.bitcast %scan3A_10#1 : vector<16xi32> -> vector<16xf32>
      %bitcast_convert_type3A_12 = tpu.bitcast %scan3A_10#3 : vector<16xi32> -> vector<16xf32>
      %scan3A_13 = arith.constant 0 : i32
      %scan3A_14 = arith.constant 0 : i32
      %scan3A_15 = arith.constant 256 : i32
      %scan3A_16 = arith.addi %scan3A_14, %scan3A_15 : i32
      %scan3A_17 = arith.constant 1 : i32
      scf.for %scan3A_19 = %scan3A_14 to %scan3A_16 step %scan3A_17  : i32 {
        %mul3A = arith.constant 16 : i32
        %mul3A_20 = arith.muli %scan3A_19, %mul3A : i32
        %get3A = arith.index_cast %mul3A_20 : i32 to index
        %get3A_21 = tpu.vector_load %arg5[%get3A] {strides = array<i32>} : memref<4096xf32, #tpu.memory_space<vmem>>, vector<16xf32>,
        %get3A_22 = vector.shape_cast %get3A_21 : vector<16xf32> to vector<16xf32>
        %le3A = arith.cmpf ole, %get3A_22, %bitcast_convert_type3A : vector<16xf32>
        %le3A_23 = arith.cmpf ole, %get3A_22, %bitcast_convert_type3A_12 : vector<16xf32>
        %jit3A = arith.constant 8.000000e+00 : f32
        %jit3A_24 = arith.constant 3.200000e+01 : f32
        %broadcast_in_dim3A_25 = vector.broadcast %jit3A : f32 to vector<16xf32>
        %broadcast_in_dim3A_26 = vector.broadcast %jit3A_24 : f32 to vector<16xf32>
        %select_n3A = arith.select %le3A_23, %broadcast_in_dim3A_25, %broadcast_in_dim3A_26 : vector<16xi1>, vector<16xf32>
        %jit3A_27 = arith.constant 2.000000e+00 : f32
        %broadcast_in_dim3A_28 = vector.broadcast %jit3A_27 : f32 to vector<16xf32>
        %select_n3A_29 = arith.select %le3A, %broadcast_in_dim3A_28, %select_n3A : vector<16xi1>, vector<16xf32>
        %neg3A = arith.constant 0.000000e+00 : f32
        %neg3A_30 = vector.broadcast %neg3A : f32 to vector<16xf32>
        %neg3A_31 = arith.subf %neg3A_30, %select_n3A_29 : vector<16xf32>
        %mul3A_32 = arith.constant 16 : i32
        %mul3A_33 = arith.muli %scan3A_19, %mul3A_32 : i32
        %swap3A = arith.index_cast %mul3A_33 : i32 to index
        %swap3A_34 = tpu.vector_load %arg6[%swap3A] {strides = array<i32>} : memref<4096xf32, #tpu.memory_space<vmem>>, vector<16xf32>,
        %swap3A_35 = vector.shape_cast %swap3A_34 : vector<16xf32> to vector<16xf32>
        %swap3A_36 = vector.shape_cast %neg3A_31 : vector<16xf32> to vector<16xf32>
        tpu.vector_store %arg6[%swap3A], %swap3A_36 {strides = array<i32>} : memref<4096xf32, #tpu.memory_space<vmem>>, vector<16xf32>,
        %sub3A = arith.constant 1.000000e+00 : f32
        %sub3A_37 = vector.broadcast %sub3A : f32 to vector<16xf32>
        %sub3A_38 = arith.subf %select_n3A_29, %sub3A_37 : vector<16xf32>
        %mul3A_39 = arith.constant 16 : i32
        %mul3A_40 = arith.muli %scan3A_19, %mul3A_39 : i32
        %swap3A_41 = arith.index_cast %mul3A_40 : i32 to index
        %swap3A_42 = tpu.vector_load %arg7[%swap3A_41] {strides = array<i32>} : memref<4096xf32, #tpu.memory_space<vmem>>, vector<16xf32>,
        %swap3A_43 = vector.shape_cast %swap3A_42 : vector<16xf32> to vector<16xf32>
        %swap3A_44 = vector.shape_cast %sub3A_38 : vector<16xf32> to vector<16xf32>
        tpu.vector_store %arg7[%swap3A_41], %swap3A_44 {strides = array<i32>} : memref<4096xf32, #tpu.memory_space<vmem>>, vector<16xf32>,
      }
      %scan3A_18 = arith.constant 256 : i32
      "tpu.region"() ({
        %run_scoped3A = tpu.sem_alloc : memref<!tpu.dma_semaphore, #tpu.memory_space<semaphore_mem>>
        tpu.enqueue_dma source(%arg6 : memref<4096xf32, #tpu.memory_space<vmem>>) target(%arg3 : memref<4096xf32, #tpu.memory_space<hbm>>) target_semaphore(%run_scoped3A : memref<!tpu.dma_semaphore, #tpu.memory_space<semaphore_mem>>)
        tpu.wait_dma2 semaphore(%run_scoped3A : memref<!tpu.dma_semaphore, #tpu.memory_space<semaphore_mem>>) src(%arg6 : memref<4096xf32, #tpu.memory_space<vmem>>) dst(%arg3 : memref<4096xf32, #tpu.memory_space<hbm>>)
        tpu.yield
      }) : () -> ()
      "tpu.region"() ({
        %run_scoped3A = tpu.sem_alloc : memref<!tpu.dma_semaphore, #tpu.memory_space<semaphore_mem>>
        tpu.enqueue_dma source(%arg7 : memref<4096xf32, #tpu.memory_space<vmem>>) target(%arg4 : memref<4096xf32, #tpu.memory_space<hbm>>) target_semaphore(%run_scoped3A : memref<!tpu.dma_semaphore, #tpu.memory_space<semaphore_mem>>)
        tpu.wait_dma2 semaphore(%run_scoped3A : memref<!tpu.dma_semaphore, #tpu.memory_space<semaphore_mem>>) src(%arg7 : memref<4096xf32, #tpu.memory_space<vmem>>) dst(%arg4 : memref<4096xf32, #tpu.memory_space<hbm>>)
        tpu.yield
      }) : () -> ()
    } else {
    }
    return
  }
}

module attributes {stable_mosaic.version = 14 : i64} {
  func.func @_quant_kernel(%arg0: i32, %arg1: memref<1x512xf32, #tpu.memory_space<vmem>>, %arg2: memref<1x512xf32, #tpu.memory_space<vmem>>, %arg3: memref<4096x512xf32, #tpu.memory_space<vmem>>, %arg4: memref<4096x512xf32, #tpu.memory_space<vmem>>) attributes {dimension_semantics = [#tpu.dimension_semantics<arbitrary>], iteration_bounds = array<i64: 8>, scalar_prefetch = 0 : i64, scratch_operands = 0 : i64, tpu.core_type = #tpu.core_type<tc>, window_params = [{transform_indices = @transform_0, window_bounds = array<i64: 1, 512>}, {transform_indices = @transform_1, window_bounds = array<i64: 1, 512>}, {transform_indices = @transform_2, window_bounds = array<i64: 4096, 512>}, {transform_indices = @transform_3, window_bounds = array<i64: 4096, 512>}]} {
    %get3A = arith.constant 0 : index
    %get3A_0 = arith.constant 0 : index
    %get3A_1 = vector.load %arg3[%get3A, %get3A_0] : memref<4096x512xf32, #tpu.memory_space<vmem>>, vector<4096x512xf32>
    %get3A_2 = arith.constant 0 : index
    %get3A_3 = arith.constant 0 : index
    %get3A_4 = vector.load %arg1[%get3A_2, %get3A_3] : memref<1x512xf32, #tpu.memory_space<vmem>>, vector<1x512xf32>
    %get3A_5 = arith.constant 0 : index
    %get3A_6 = arith.constant 0 : index
    %get3A_7 = vector.load %arg2[%get3A_5, %get3A_6] : memref<1x512xf32, #tpu.memory_space<vmem>>, vector<1x512xf32>
    %reduce_min3A = arith.constant dense<0x7F800000> : vector<512xf32>
    %reduce_min3A_8 = vector.multi_reduction <minimumf>, %get3A_1, %reduce_min3A [0] : vector<4096x512xf32> to vector<512xf32>
    %broadcast_in_dim3A = vector.shape_cast %reduce_min3A_8 : vector<512xf32> to vector<1x512xf32>
    %reduce_max3A = arith.constant dense<0xFF800000> : vector<512xf32>
    %reduce_max3A_9 = vector.multi_reduction <maximumf>, %get3A_1, %reduce_max3A [0] : vector<4096x512xf32> to vector<512xf32>
    %broadcast_in_dim3A_10 = vector.shape_cast %reduce_max3A_9 : vector<512xf32> to vector<1x512xf32>
    %sub3A = arith.subf %broadcast_in_dim3A_10, %broadcast_in_dim3A : vector<1x512xf32>
    %sub3A_11 = arith.subf %get3A_7, %get3A_4 : vector<1x512xf32>
    %div3A = arith.divf %sub3A, %sub3A_11 : vector<1x512xf32>
    %abs3A = math.absf %div3A : vector<1x512xf32>
    %lt3A = arith.constant 9.99999997E-7 : f32
    %lt3A_12 = vector.broadcast %lt3A : f32 to vector<1x512xf32>
    %lt3A_13 = arith.cmpf olt, %abs3A, %lt3A_12 : vector<1x512xf32>
    %jit3A = arith.constant 9.99999997E-7 : f32
    %broadcast_in_dim3A_14 = vector.broadcast %jit3A : f32 to vector<1x512xf32>
    %select_n3A = arith.select %lt3A_13, %broadcast_in_dim3A_14, %div3A : vector<1x512xi1>, vector<1x512xf32>
    %div3A_15 = arith.divf %broadcast_in_dim3A, %select_n3A : vector<1x512xf32>
    %sub3A_16 = arith.subf %get3A_4, %div3A_15 : vector<1x512xf32>
    %round3A = math.roundeven %sub3A_16 : vector<1x512xf32>
    %max3A = arith.maximumf %get3A_4, %round3A : vector<1x512xf32>
    %min3A = arith.minimumf %get3A_7, %max3A : vector<1x512xf32>
    %div3A_17 = vector.broadcast %select_n3A : vector<1x512xf32> to vector<4096x512xf32>
    %div3A_18 = arith.divf %get3A_1, %div3A_17 : vector<4096x512xf32>
    %round3A_19 = math.roundeven %div3A_18 : vector<4096x512xf32>
    %add3A = vector.broadcast %min3A : vector<1x512xf32> to vector<4096x512xf32>
    %add3A_20 = arith.addf %round3A_19, %add3A : vector<4096x512xf32>
    %jit3A_21 = arith.constant -1.280000e+02 : f32
    %jit3A_22 = arith.constant 1.270000e+02 : f32
    %max3A_23 = vector.broadcast %jit3A_21 : f32 to vector<4096x512xf32>
    %max3A_24 = arith.maximumf %max3A_23, %add3A_20 : vector<4096x512xf32>
    %min3A_25 = vector.broadcast %jit3A_22 : f32 to vector<4096x512xf32>
    %min3A_26 = arith.minimumf %min3A_25, %max3A_24 : vector<4096x512xf32>
    %sub3A_27 = vector.broadcast %min3A : vector<1x512xf32> to vector<4096x512xf32>
    %sub3A_28 = arith.subf %min3A_26, %sub3A_27 : vector<4096x512xf32>
    %mul3A = vector.broadcast %select_n3A : vector<1x512xf32> to vector<4096x512xf32>
    %mul3A_29 = arith.mulf %sub3A_28, %mul3A : vector<4096x512xf32>
    %swap3A = arith.constant 0 : index
    %swap3A_30 = arith.constant 0 : index
    %swap3A_31 = vector.load %arg4[%swap3A, %swap3A_30] : memref<4096x512xf32, #tpu.memory_space<vmem>>, vector<4096x512xf32>
    tpu.vector_store %arg4[%swap3A, %swap3A_30], %mul3A_29 {strides = array<i32>} : memref<4096x512xf32, #tpu.memory_space<vmem>>, vector<4096x512xf32>,
    return
  }
  func.func @transform_0(%arg0: i32) -> (i32, i32) {
    %c0_i32 = arith.constant 0 : i32
    %c0_i32_0 = arith.constant 0 : i32
    return %c0_i32, %arg0 : i32, i32
  }
  func.func @transform_1(%arg0: i32) -> (i32, i32) {
    %c0_i32 = arith.constant 0 : i32
    %c0_i32_0 = arith.constant 0 : i32
    return %c0_i32, %arg0 : i32, i32
  }
  func.func @transform_2(%arg0: i32) -> (i32, i32) {
    %c0_i32 = arith.constant 0 : i32
    %c0_i32_0 = arith.constant 0 : i32
    return %c0_i32, %arg0 : i32, i32
  }
  func.func @transform_3(%arg0: i32) -> (i32, i32) {
    %c0_i32 = arith.constant 0 : i32
    %c0_i32_0 = arith.constant 0 : i32
    return %c0_i32, %arg0 : i32, i32
  }
}

</mosaic_0001>

<sc_bundles>
// kernel: kernel.4.cloned.1.call-start
scs
__scs_entry_jumppad:
0x0: {  	(pc) =	sbr.rel $0x88, $3  }
0x1: {  	(tag) =	ssettag $0x0;
	lr =	simm.s32 $0x1  }
0x2: {  	[smem:$0x3F9F] =	sst lr;
	_ =	strace $0xD0000000  }
0x3: {  	_ = 	snop  }
0x4: {  	_ = 	snop  }
0x5: {  	_ = 	snop  }
0x6: {  	_ = 	snop  }
0x7: {  	_ = 	snop  }
__scs_overlays_trampoline_lowered:
0x8: {  	[smem:$0x3FAE] =	sst s0  }
0x9: {  	[smem:$0x3FAF] =	sst s1  }
0xa: {  	[smem:$0x3FB0] =	sst s2  }
0xb: {  	[smem:$0x3FB1] =	sst s3  }
0xc: {  	[smem:$0x3FB2] =	sst s4  }
0xd: {  	[smem:$0x3FB3] =	sst s5  }
0xe: {  	[smem:$0x3FB4] =	sst s6  }
0xf: {  	[smem:$0x3FB5] =	sst s7  }
0x10: {  	[smem:$0x3FB6] =	sst s8  }
0x11: {  	[smem:$0x3FB7] =	sst s9;
	s0 =	simm.s32 @!p0 $0x0  }
0x12: {  	s1 =	sld [smem:$0x3F9D];
	s0 =	simm.s32 @p0 $0x1  }
0x13: {  	[smem:$0x3FB8] =	sst s0;
	s0 =	simm.s32 @!p1 $0x0  }
0x14: {  	s2 =	sld [smem:$0x3F9C];
	s0 =	simm.s32 @p1 $0x1  }
0x15: {  	[smem:$0x3FB9] =	sst s0;
	s0 =	simm.s32 @!p2 $0x0  }
0x16: {  	s3 =	sld [smem:$0x3FDB];
	s0 =	simm.s32 @p2 $0x1  }
0x17: {  	s4 =	simm.s32 $0x1BF5;
	[smem:$0x3FBB] =	sst s0  }
0x18: {  	s0 =	sld [smem:$0x3F9E];
	_ =	swait.ge [sflag:s4], $0x0  }
0x19: {  	s7 =	sld [smem:$0x3F9F]  }
0x1a: {  	s8 =	sadd.s32 $0xFFFFE003, lr  }
0x1b: {  	s9 =	sadd.s32 $0xFFFFFEF7, lr;
	s5 =	simm.s32 $0xFFFFFFFF;
	p2 =	slt.u32 s8, $0xFFFFF086  }
0x1c: {  	p1 =	slt.u32 s9, $0xF7A;
	s5 =	simm.s32 @!p2 $0x0  }
0x1d: {  	s5 =	simm.s32 @p1 $0x1;
	p0 =	seq.s32 s7, s2  }
0x1e: {  	s7 =	smul.u32 @!p0 $0xF7A, s2;
	p2 =	seq.s32 @!p0 s5, $0x0  }
0x1f: {  	s9 =	smul.u32 $0xF7A, s1;
	s8 =	simm.s32 @!p0 $0x1BF5;
	p2 =	por !p2, p0  }
0x20: {  	[sflag:s8] =	ssyncset.s32 @!p0 $0xFFFFF086;
	s6 =	sadd.s32 @!p0 s3, s7;
	s7 =	simm.s32 @!p0 $0x108  }
0x21: {  	s3 =	sadd.s32 s3, s9;
	s6 =	sadd.s32 @!p0 $0x88, s6;
	s7 =	simm.s32 @p2 $0x1082  }
0x22: {  	[simem:s7], [sflag:s8] =	dma.local @!p0 [hbm:s6], $0xF7A  }
0x23: {  	s9 =	sor.u32 $0xD0000000, s2;
	s6 =	simm.s32 $0x108;
	_ =	swait.ge @!p0 [sflag:s8], $0x0  }
0x24: {  	s3 =	sadd.s32 $0x88, s3;
	s6 =	simm.s32 @!p1 $0x1082;
	[sflag:s4] =	ssyncset.s32 $0xFFFFF086  }
0x25: {  	[simem:s6], [sflag:s4] =	dma.local [hbm:s3], $0xF7A  }
0x26: {  	[smem:$0x3F9F] =	sst s1;
	(tag) =	ssettag s2;
	_ =	strace s9  }
0x27: {  	s1 =	sld [smem:$0x3FAF]  }
0x28: {  	s2 =	sld [smem:$0x3FB0]  }
0x29: {  	s4 =	sld [smem:$0x3FB2]  }
0x2a: {  	p0 =	seq.s32 s5, $0x0;
	s5 =	sld [smem:$0x3FB3]  }
0x2b: {  	s6 =	sld [smem:$0x3FB4]  }
0x2c: {  	s7 =	sld [smem:$0x3FB5]  }
0x2d: {  	s3 =	simm.s32 $0x108;
	s8 =	sld [smem:$0x3FB6]  }
0x2e: {  	s3 =	simm.s32 @!p0 $0x1082;
	s9 =	sld [smem:$0x3FB7]  }
0x2f: {  	lr =	sadd.s32 s0, s3;
	s0 =	sld [smem:$0x3FAE]  }
0x30: {  	s3 =	sld [smem:$0x3FB1]  }
0x31: {  	[smem:$0x3FBA] =	sst s10  }
0x32: {  	s10 =	sld [smem:$0x3FB8];
	_ =	sdelay $0x3  }
0x33: {  	p0 =	seq.s32 s10, $0x1;
	s10 =	sld [smem:$0x3FBA];
	_ =	sdelay $0x3  }
0x34: {  	[smem:$0x3FBA] =	sst s10  }
0x35: {  	s10 =	sld [smem:$0x3FB9];
	_ =	sdelay $0x3  }
0x36: {  	p1 =	seq.s32 s10, $0x1;
	s10 =	sld [smem:$0x3FBA];
	_ =	sdelay $0x3  }
0x37: {  	[smem:$0x3FBA] =	sst s10  }
0x38: {  	s10 =	sld [smem:$0x3FBB]  }
0x39: {  	_ = 	snop;
	(pc) =	sbr.ind lr, $3  }
0x3a: {  	_ = 	snop  }
0x3b: {  	_ = 	snop  }
0x3c: {  	p2 =	seq.s32 s10, $0x1;
	s10 =	sld [smem:$0x3FBA]  }
0x3d: {  	_ =	shalt  }
0x3e: {  	_ =	shalt  }
0x3f: {  	_ =	shalt  }
0x40: {  	_ =	shalt  }
0x41: {  	_ =	shalt  }
0x42: {  	_ =	shalt  }
0x43: {  	_ =	shalt  }
0x44: {  	_ =	shalt  }
0x45: {  	_ =	shalt  }
0x46: {  	_ =	shalt  }
0x47: {  	_ =	shalt  }
0x48: {  	_ =	shalt  }
0x49: {  	_ =	shalt  }
0x4a: {  	_ =	shalt  }
0x4b: {  	_ =	shalt  }
0x4c: {  	_ =	shalt  }
0x4d: {  	_ =	shalt  }
0x4e: {  	_ =	shalt  }
0x4f: {  	_ =	shalt  }
0x50: {  	_ =	shalt  }
0x51: {  	_ =	shalt  }
0x52: {  	_ =	shalt  }
0x53: {  	_ =	shalt  }
0x54: {  	_ =	shalt  }
0x55: {  	_ =	shalt  }
0x56: {  	_ =	shalt  }
0x57: {  	_ =	shalt  }
0x58: {  	_ =	shalt  }
0x59: {  	_ =	shalt  }
0x5a: {  	_ =	shalt  }
0x5b: {  	_ =	shalt  }
0x5c: {  	_ =	shalt  }
0x5d: {  	_ =	shalt  }
0x5e: {  	_ =	shalt  }
0x5f: {  	_ =	shalt  }
0x60: {  	_ =	shalt  }
0x61: {  	_ =	shalt  }
0x62: {  	_ =	shalt  }
0x63: {  	_ =	shalt  }
0x64: {  	_ =	shalt  }
0x65: {  	_ =	shalt  }
0x66: {  	_ =	shalt  }
0x67: {  	_ =	shalt  }
0x68: {  	_ =	shalt  }
0x69: {  	_ =	shalt  }
0x6a: {  	_ =	shalt  }
0x6b: {  	_ =	shalt  }
0x6c: {  	_ =	shalt  }
0x6d: {  	_ =	shalt  }
0x6e: {  	_ =	shalt  }
0x6f: {  	_ =	shalt  }
0x70: {  	_ =	shalt  }
0x71: {  	_ =	shalt  }
0x72: {  	_ =	shalt  }
0x73: {  	_ =	shalt  }
0x74: {  	_ =	shalt  }
0x75: {  	_ =	shalt  }
0x76: {  	_ =	shalt  }
0x77: {  	_ =	shalt  }
0x78: {  	_ =	shalt  }
0x79: {  	_ =	shalt  }
0x7a: {  	_ =	shalt  }
0x7b: {  	_ =	shalt  }
0x7c: {  	_ =	shalt  }
0x7d: {  	_ =	shalt  }
0x7e: {  	_ =	shalt  }
0x7f: {  	_ =	shalt  }
0x80: {  	_ =	shalt  }
0x81: {  	_ =	shalt  }
0x82: {  	_ =	shalt  }
0x83: {  	_ =	shalt  }
0x84: {  	_ =	shalt  }
0x85: {  	_ =	shalt  }
0x86: {  	_ =	shalt  }
0x87: {  	_ =	shalt  }
.Lfunc_end0:
.L_simem_size_0:
called_computation_lowered:
.L_overlay_start_0:
0x88: {  	s2 =	sld [smem:$0x3FD9]  }
0x89: {  	s3 =	sld [smem:$0x3FFE];
	_ =	sdelay $0x1  }
0x8a: {  	s1 =	srdreg.scid  }
0x8b: {  	s0 =	sand.u32 $0x1, s1  }
0x8c: {  	s17 =	sshll.u32 s0, $0xA;
	s2 =	sadd.s32 s3, s2  }
0x8d: {  	s2 =	sadd.s32 s2, s17  }
0x8e: {  	[smem:$0x3FC6] =	sst s2  }
0x8f: {  	_ = 	snop  }
0x90: {  	s2 =	sld [smem:$0x3FC8]  }
0x91: {  	s18 =	sld [smem:$0x3FD0];
	(tm) =	ssettm $0x1  }
0x92: {  	s4 =	sld [smem:$0x3FFB];
	_ =	sdelay $0x3  }
0x93: {  	_ =	strace s4  }
0x94: {  	s4 =	sld [smem:$0x3FFC];
	_ =	sdelay $0x3  }
0x95: {  	_ =	strace s4  }
0x96: {  	s4 =	sld [smem:$0x3FFD];
	_ =	sdelay $0x3  }
0x97: {  	_ =	strace s4  }
0x98: {  	_ =	strace $0x8FFFFFFF  }
0x99: {  	s19 =	sld [smem:$0x3FDB];
	_ =	sdelay $0x1  }
0x9a: {  	s5 =	simm.s32 $_scs_section_size  }
0x9b: {  	s6 =	simm.s32 $_size__tile_overlayer_lowered;
	s7 =	simm.s32 $_tile_overlayer_lowered  }
0x9c: {  	s22 =	simm.s32 $0x1BFF;
	s21 =	sshll.u32 s7, $0x1;
	s4 =	sadd.s32 s5, s19  }
0x9d: {  	s8 =	simm.s32 $0x0;
	s20 =	sshll.u32 s6, $0x1;
	s6 =	sadd.s32 s21, s4  }
0x9e: {  	[timem:s8], [sflag:s22] =	dma.local [hbm:s6], s20  }
0x9f: {  	_ =	swait.ge [sflag:s22], s20  }
0xa0: {  	s5 =	ssub.s32 $0x0, s20;
	[sflag:s22] =	ssyncset.done $0x0  }
0xa1: {  	[sflag:s22] =	ssyncadd.s32 s5;
	_ =	sdelay $0x1  }
0xa2: {  	s23 =	simm.s32 $0x1B8B  }
0xa3: {  	_ =	swait.ge [sflag:s23], $0x1  }
0xa4: {  	[sflag:s23] =	ssyncset.done $0x0  }
0xa5: {  	s25 =	simm.s32 $0x1B8E;
	s24 =	sld [smem:$0x3FFE];
	[sflag:s23] =	ssyncadd.s32 $0xFFFFFFFF  }
0xa6: {  	s26 =	simm.s32 $execute0_lowered;
	[smem:$0x3FD2] =	sst s25  }
0xa7: {  	s6 =	sshll.u32 s26, $0x1;
	_ =	strace $0x80000046;
	[dreg:$0x1] =	wrdreg $0xFFFFFFFF  }
0xa8: {  	s28 =	simm.s32 $_size_execute0_lowered;
	s4 =	sadd.s32 s4, s6;
	[dreg:$0x0] =	wrdreg $0x0  }
0xa9: {  	s6 =	sshll.u32 s28, $0x1;
	[dreg:$0x2] =	wrdreg s4  }
0xaa: {  	[dreg:$0x3] =	wrdreg s6  }
0xab: {  	[dreg:$0x4] =	wrdreg $0xC0  }
0xac: {  	_ =	task [dreg:s8], $0x5FFFF  }
0xad: {  	[dreg:$0x1] =	wrdreg $0xFFFFFFFF  }
0xae: {  	[dreg:$0x0] =	wrdreg $0x60  }
0xaf: {  	[dreg:$0x2] =	wrdreg s2  }
0xb0: {  	[dreg:$0x3] =	wrdreg s18  }
0xb1: {  	[dreg:$0x4] =	wrdreg s24  }
0xb2: {  	[dreg:$0x5] =	wrdreg $0x9  }
0xb3: {  	_ =	task.clear_ibuf [dreg:s8], $0x6FFFF;
	_ =	strace $0x90000046  }
0xb4: {  	s29 =	simm.s32 $0x9;
	_ =	strace $0x80000048  }
0xb5: {  	_ =	swait.ge [sflag:s29], $0x1  }
0xb6: {  	[sflag:s29] =	ssyncadd.s32 $0xFFFFFFFF  }
0xb7: {  	_ =	strace $0x90000048  }
0xb8: {  	_ =	sfence  }
0xb9: {  	s30 =	sld [smem:$0x0];
	_ =	sdelay $0x2  }
0xba: {  	s31 =	sshll.u32 s1, $0xD;
	s1 =	sshrl.u32 s1, $0x2  }
0xbb: {  	s3 =	sand.u32 $0x4000, s31;
	s1 =	sadd.s32 s1, s30  }
0xbc: {  	s0 =	sor.u32 s3, s0;
	s1 =	sshll.u32 s1, $0x11  }
0xbd: {  	s0 =	sor.u32 s1, s0  }
0xbe: {  	s0 =	sadd.s32 $0x8F2B, s0  }
0xbf: {  	[sflag:s0] =	ssyncadd.remote.s32 $0x1  }
0xc0: {  	_ =	sfence.sel $0xFFFF  }
0xc1: {  	[dreg:$0x0] =	wrdreg $0xFFFFFFFF;
	(pc) =	sbr.abs _section_cstart, $3  }
0xc2: {  	[dreg:$0x1] =	wrdreg $0xFFFFFFFF  }
0xc3: {  	_ =	task.clear_ibuf [dreg:s8], $0x2FFFF;
	_ =	strace $0x9FFFFFFF  }
0xc4: {  	(tm) =	ssettm $0x7FFFFFFF  }
0xc5: {  	_ =	shalt  }
tec
execute0_lowered:
.L_overlay_start_1:
0x0: {  	(tag) =	ssettag $0x1  }
0x1: {  	s0 =	srdreg.scid  }
0x2: {  	s5 =	sand.u32 $0x1, s0;
	s0 =	stileid.u32  }
0x3: {  	s6 =	sor.u32 s0, s5  }
0x4: {  	p0 =	sne.s32 s6, $0x0  }
.Ltmp0:
0x5: {  	_ = 	snop;
	(pc) =	sbr.rel @p0 .LBB2_11-.Ltmp0, $4  }
0x6: {  	s1 =	rddreg [dreg:$0x0]  }
0x7: {  	s3 =	rddreg [dreg:$0x1]  }
0x8: {  	s4 =	rddreg [dreg:$0x2]  }
0x9: {  	s2 =	rddreg [dreg:$0x3];
	_ =	strace $0x80000047  }
0xa: {  	v0 =	vimm.s32 $0xFEDCBA98;
	v1 =	vimm.s32 $0x76543210  }
0xb: {  	v2 =	vimm.s32 $0xBA98FEDC;
	v3 =	vimm.s32 $0x32107654;
	v4 =	vimm.s32 $0xDCFE98BA  }
0xc: {  	v5 =	vimm.s32 $0x54761032;
	v6 =	vimm.s32 $0xEFCDAB89;
	v7 =	vimm.s32 $0x67452301  }
0xd: {  	v0 =	vunpack.c.l.s4.s8 v0;
	v1 =	vunpack.c.l.s4.s8 v1;
	v2 =	vunpack.c.l.s4.s8 v2  }
0xe: {  	v3 =	vunpack.c.l.s4.s8 v3;
	v4 =	vunpack.c.l.s4.s8 v4;
	v5 =	vunpack.c.l.s4.s8 v5  }
0xf: {  	v6 =	vunpack.c.l.s4.s8 v6;
	v7 =	vunpack.c.l.s4.s8 v7;
	v0 =	vunpack.c.0.s8.s32 v0  }
0x10: {  	v1 =	vunpack.c.0.s8.s32 v1;
	v2 =	vunpack.c.0.s8.s32 v2;
	v3 =	vunpack.c.0.s8.s32 v3  }
0x11: {  	v4 =	vunpack.c.0.s8.s32 v4;
	v5 =	vunpack.c.0.s8.s32 v5;
	v0 =	vand.u32 $0xF, v0  }
0x12: {  	s5 =	ssub.s32 $0x2, s5;
	s4 =	sadd.s32 $0xC00, s4;
	s7 =	simm.s32 $0x1;
	v6 =	vunpack.c.0.s8.s32 v6;
	v7 =	vunpack.c.0.s8.s32 v7;
	v0 =	vcombine.low v0, v1  }
0x13: {  	s8 =	simm.s32 $0x1000;
	s9 =	simm.s32 $0x2000;
	s6 =	sshrl.u32 s5, $0x1;
	v1 =	vcombine.low v3, v2;
	v2 =	vcombine.low v5, v4  }
0x14: {  	s10 =	simm.s32 $0x0;
	s5 =	ssub.s32 s5, s6;
	s6 =	simm.s32 $0x0;
	v3 =	vimm.f32 $0.0e+00;
	v4 =	vcombine.low v7, v6;
	v5 =	vimm.f32 $3.200000000e+01  }
.LBB2_2:
0x15: {  	[tilespmem:s6], [sflag:$0x1] =	stream.linear.gather [hbm4b:s1+s6], $0x1000, $0x38;
	[tilespmem:$0x3000] =	vst v63  }
0x16: {  	_ =	swait.ge [sflag:s7], $0x1000  }
0x17: {  	v8 =	vimm.s32 $0xFFFFFFFF;
	[sflag:s7] =	ssyncset.done $0x0  }
0x18: {  	v6 =	vimm.s32 $0x7F7FFFFF;
	v7 =	vimm.s32 $0x7F7FFFFF;
	v9 =	vimm.s32 $0xFFFFFFFF;
	s11 =	simm.s32 $0x0;
	[sflag:s7] =	ssyncadd.s32 $0xFFFFF000  }
.LBB2_3:
0x19: {  	s13 =	simm.s32 $0x80  }
0x1a: {  	v11 =	vld [tilespmem:s13+$0xFFFFFF80];
	_ =	sdelay $0x1  }
0x1b: {  	v12 =	vld [tilespmem:s13+$0xFFFFFF90]  }
0x1c: {  	v10 =	vadd.s32 v9, v7  }
0x1d: {  	v10 =	vshra.s32 v10, $0x1;
	v13 =	vld [tilespmem:s13+$0xFFFFFFA0]  }
0x1e: {  	vm0 =	vle.f32 v11, v10  }
0x1f: {  	v15 =	vld [tilespmem:s13+$0xFFFFFFB0];
	v11 =	vimm.f32 $0.0e+00;
	v14 =	vsel vm0, $0x3F800000, v3  }
0x20: {  	vm0 =	vle.f32 v12, v10;
	v11 =	vadd.f32 v14, v11  }
0x21: {  	v12 =	vsel vm0, $0x3F800000, v3;
	v14 =	vld [tilespmem:s13+$0xFFFFFFC0]  }
0x22: {  	vm0 =	vle.f32 v13, v10;
	v11 =	vadd.f32 v12, v11  }
0x23: {  	v13 =	vld [tilespmem:s13+$0xFFFFFFD0];
	v12 =	vsel vm0, $0x3F800000, v3  }
0x24: {  	vm0 =	vle.f32 v15, v10;
	v11 =	vadd.f32 v12, v11  }
0x25: {  	v15 =	vld [tilespmem:s13+$0xFFFFFFE0];
	v12 =	vsel vm0, $0x3F800000, v3  }
0x26: {  	vm0 =	vle.f32 v14, v10;
	v11 =	vadd.f32 v12, v11  }
0x27: {  	v14 =	vld [tilespmem:s13+$0xFFFFFFF0];
	v12 =	vsel vm0, $0x3F800000, v3  }
0x28: {  	vm0 =	vle.f32 v13, v10;
	v11 =	vadd.f32 v12, v11  }
0x29: {  	v13 =	vld [tilespmem:s13+$0x0];
	v12 =	vsel vm0, $0x3F800000, v3  }
0x2a: {  	vm0 =	vle.f32 v15, v10;
	v11 =	vadd.f32 v12, v11  }
0x2b: {  	v15 =	vld [tilespmem:s13+$0x10];
	v12 =	vsel vm0, $0x3F800000, v3  }
0x2c: {  	vm0 =	vle.f32 v14, v10;
	v11 =	vadd.f32 v12, v11  }
0x2d: {  	v14 =	vld [tilespmem:s13+$0x20];
	v12 =	vsel vm0, $0x3F800000, v3  }
0x2e: {  	vm0 =	vle.f32 v13, v10;
	v11 =	vadd.f32 v12, v11  }
0x2f: {  	v13 =	vld [tilespmem:s13+$0x30];
	v12 =	vsel vm0, $0x3F800000, v3  }
0x30: {  	vm0 =	vle.f32 v15, v10;
	v11 =	vadd.f32 v12, v11  }
0x31: {  	v15 =	vld [tilespmem:s13+$0x40];
	v12 =	vsel vm0, $0x3F800000, v3  }
0x32: {  	vm0 =	vle.f32 v14, v10;
	v11 =	vadd.f32 v12, v11  }
0x33: {  	v16 =	vld [tilespmem:s13+$0x50];
	v12 =	vsel vm0, $0x3F800000, v3  }
0x34: {  	vm0 =	vle.f32 v13, v10;
	v11 =	vadd.f32 v12, v11  }
0x35: {  	v13 =	vld [tilespmem:s13+$0x60];
	v12 =	vsel vm0, $0x3F800000, v3  }
0x36: {  	vm0 =	vle.f32 v15, v10;
	v11 =	vadd.f32 v12, v11  }
0x37: {  	v14 =	vsel vm0, $0x3F800000, v3;
	v12 =	vld [tilespmem:s13+$0x70]  }
0x38: {  	s12 =	simm.s32 $0x0;
	vm0 =	vle.f32 v16, v10;
	s13 =	simm.s32 $0x180;
	v14 =	vadd.f32 v14, v11  }
.LBB2_4:
0x39: {  	v11 =	vld [tilespmem:s13+$0xFFFFFF80];
	s12 =	sadd.s32 $0x10, s12;
	v15 =	vsel vm0, $0x3F800000, v3  }
0x3a: {  	p0 =	slt.u32 s12, $0xF0;
	v14 =	vadd.f32 v15, v14;
	vm0 =	vle.f32 v13, v10  }
0x3b: {  	v13 =	vld [tilespmem:s13+$0xFFFFFF90];
	v15 =	vsel vm0, $0x3F800000, v3  }
0x3c: {  	v14 =	vadd.f32 v15, v14;
	vm0 =	vle.f32 v12, v10  }
0x3d: {  	v12 =	vld [tilespmem:s13+$0xFFFFFFA0];
	v15 =	vsel vm0, $0x3F800000, v3  }
0x3e: {  	vm0 =	vle.f32 v11, v10;
	v11 =	vadd.f32 v15, v14  }
0x3f: {  	v14 =	vsel vm0, $0x3F800000, v3;
	v15 =	vld [tilespmem:s13+$0xFFFFFFB0]  }
0x40: {  	v11 =	vadd.f32 v14, v11;
	vm0 =	vle.f32 v13, v10  }
0x41: {  	v13 =	vsel vm0, $0x3F800000, v3;
	v14 =	vld [tilespmem:s13+$0xFFFFFFC0]  }
0x42: {  	v11 =	vadd.f32 v13, v11;
	vm0 =	vle.f32 v12, v10  }
0x43: {  	v12 =	vsel vm0, $0x3F800000, v3;
	v13 =	vld [tilespmem:s13+$0xFFFFFFD0]  }
0x44: {  	v11 =	vadd.f32 v12, v11;
	vm0 =	vle.f32 v15, v10  }
0x45: {  	v12 =	vsel vm0, $0x3F800000, v3;
	v15 =	vld [tilespmem:s13+$0xFFFFFFE0]  }
0x46: {  	v11 =	vadd.f32 v12, v11;
	vm0 =	vle.f32 v14, v10  }
0x47: {  	v12 =	vsel vm0, $0x3F800000, v3;
	v14 =	vld [tilespmem:s13+$0xFFFFFFF0]  }
0x48: {  	v11 =	vadd.f32 v12, v11;
	vm0 =	vle.f32 v13, v10  }
0x49: {  	v12 =	vsel vm0, $0x3F800000, v3;
	v13 =	vld [tilespmem:s13+$0x0]  }
0x4a: {  	v11 =	vadd.f32 v12, v11;
	vm0 =	vle.f32 v15, v10  }
0x4b: {  	v12 =	vsel vm0, $0x3F800000, v3;
	v15 =	vld [tilespmem:s13+$0x10]  }
0x4c: {  	v11 =	vadd.f32 v12, v11;
	vm0 =	vle.f32 v14, v10  }
0x4d: {  	v12 =	vsel vm0, $0x3F800000, v3;
	v14 =	vld [tilespmem:s13+$0x20]  }
0x4e: {  	v11 =	vadd.f32 v12, v11;
	vm0 =	vle.f32 v13, v10  }
0x4f: {  	v12 =	vsel vm0, $0x3F800000, v3;
	v13 =	vld [tilespmem:s13+$0x30]  }
0x50: {  	v11 =	vadd.f32 v12, v11;
	vm0 =	vle.f32 v15, v10  }
0x51: {  	v12 =	vsel vm0, $0x3F800000, v3;
	v15 =	vld [tilespmem:s13+$0x40]  }
0x52: {  	v11 =	vadd.f32 v12, v11;
	vm0 =	vle.f32 v14, v10  }
0x53: {  	v12 =	vsel vm0, $0x3F800000, v3;
	v16 =	vld [tilespmem:s13+$0x50]  }
.Ltmp1:
0x54: {  	v11 =	vadd.f32 v12, v11;
	vm0 =	vle.f32 v13, v10;
	(pc) =	sbr.rel @p0 .LBB2_4-.Ltmp1, $4  }
0x55: {  	v12 =	vsel vm0, $0x3F800000, v3;
	v13 =	vld [tilespmem:s13+$0x60]  }
0x56: {  	v11 =	vadd.f32 v12, v11;
	vm0 =	vle.f32 v15, v10  }
0x57: {  	v14 =	vsel vm0, $0x3F800000, v3;
	v12 =	vld [tilespmem:s13+$0x70]  }
0x58: {  	s13 =	sadd.s32 $0x100, s13;
	v14 =	vadd.f32 v14, v11;
	vm0 =	vle.f32 v16, v10  }
0x59: {  	s13 =	simm.s32 $0x80  }
0x5a: {  	v15 =	vld [tilespmem:s13+$0xFFFFFF80];
	_ =	sdelay $0x1  }
0x5b: {  	v16 =	vld [tilespmem:s13+$0xFFFFFF90]  }
0x5c: {  	v11 =	vadd.s32 v8, v6  }
0x5d: {  	v11 =	vshra.s32 v11, $0x1;
	v17 =	vld [tilespmem:s13+$0xFFFFFFA0]  }
0x5e: {  	vm1 =	vle.f32 v15, v11  }
0x5f: {  	v19 =	vld [tilespmem:s13+$0xFFFFFFB0];
	v15 =	vimm.f32 $0.0e+00;
	v18 =	vsel vm1, $0x3F800000, v3  }
0x60: {  	vm1 =	vle.f32 v16, v11;
	v15 =	vadd.f32 v18, v15  }
0x61: {  	v16 =	vsel vm1, $0x3F800000, v3;
	v18 =	vld [tilespmem:s13+$0xFFFFFFC0]  }
0x62: {  	vm1 =	vle.f32 v17, v11;
	v15 =	vadd.f32 v16, v15  }
0x63: {  	v17 =	vld [tilespmem:s13+$0xFFFFFFD0];
	v16 =	vsel vm1, $0x3F800000, v3  }
0x64: {  	vm1 =	vle.f32 v19, v11;
	v15 =	vadd.f32 v16, v15;
	v16 =	vsel vm0, $0x3F800000, v3  }
0x65: {  	vm0 =	vle.f32 v13, v10;
	v13 =	vsel vm1, $0x3F800000, v3;
	v14 =	vadd.f32 v16, v14;
	v16 =	vld [tilespmem:s13+$0xFFFFFFE0]  }
0x66: {  	v13 =	vadd.f32 v13, v15;
	v15 =	vsel vm0, $0x3F800000, v3;
	vm0 =	vle.f32 v18, v11  }
0x67: {  	v18 =	vld [tilespmem:s13+$0xFFFFFFF0];
	v14 =	vadd.f32 v15, v14;
	v15 =	vsel vm0, $0x3F800000, v3  }
0x68: {  	vm1 =	vle.f32 v17, v11;
	vm0 =	vle.f32 v12, v10;
	v12 =	vadd.f32 v15, v13  }
0x69: {  	v17 =	vld [tilespmem:s13+$0x0];
	v15 =	vsel vm1, $0x3F800000, v3  }
0x6a: {  	v13 =	vsel vm0, $0x3F800000, v3;
	v12 =	vadd.f32 v15, v12;
	vm0 =	vle.f32 v16, v11  }
0x6b: {  	v13 =	vadd.f32 v13, v14;
	v15 =	vld [tilespmem:s13+$0x10];
	v14 =	vsel vm0, $0x3F800000, v3  }
0x6c: {  	vm0 =	vle.f32 v18, v11;
	v12 =	vadd.f32 v14, v12  }
0x6d: {  	v16 =	vperm.xlane v13, v0;
	v18 =	vld [tilespmem:s13+$0x20];
	v14 =	vsel vm0, $0x3F800000, v3  }
0x6e: {  	vm0 =	vle.f32 v17, v11;
	v12 =	vadd.f32 v14, v12  }
0x6f: {  	v13 =	vadd.f32 v16, v13;
	v16 =	vld [tilespmem:s13+$0x30];
	v14 =	vsel vm0, $0x3F800000, v3  }
0x70: {  	vm0 =	vle.f32 v15, v11;
	v12 =	vadd.f32 v14, v12  }
0x71: {  	v17 =	vperm.xlane v13, v1;
	v14 =	vsel vm0, $0x3F800000, v3  }
0x72: {  	v15 =	vld [tilespmem:s13+$0x40];
	vm0 =	vle.f32 v18, v11;
	v12 =	vadd.f32 v14, v12  }
0x73: {  	v13 =	vadd.f32 v17, v13;
	v14 =	vsel vm0, $0x3F800000, v3  }
0x74: {  	v17 =	vld [tilespmem:s13+$0x50];
	vm0 =	vle.f32 v16, v11;
	v14 =	vadd.f32 v14, v12  }
0x75: {  	v18 =	vperm.xlane v13, v2;
	v16 =	vsel vm0, $0x3F800000, v3  }
0x76: {  	v16 =	vadd.f32 v16, v14;
	v14 =	vld [tilespmem:s13+$0x60]  }
0x77: {  	vm0 =	vle.f32 v15, v11;
	v12 =	vadd.f32 v18, v13  }
0x78: {  	v15 =	vld [tilespmem:s13+$0x70];
	v18 =	vsel vm0, $0x3F800000, v3  }
0x79: {  	s12 =	simm.s32 $0x0;
	vm0 =	vle.f32 v17, v11;
	s13 =	simm.s32 $0x180;
	v13 =	vperm.xlane v12, v4;
	v16 =	vadd.f32 v18, v16  }
.LBB2_6:
0x7a: {  	v17 =	vld [tilespmem:s13+$0xFFFFFF80];
	s12 =	sadd.s32 $0x10, s12;
	v18 =	vsel vm0, $0x3F800000, v3  }
0x7b: {  	p0 =	slt.u32 s12, $0xF0;
	v16 =	vadd.f32 v18, v16;
	vm0 =	vle.f32 v14, v11  }
0x7c: {  	v14 =	vld [tilespmem:s13+$0xFFFFFF90];
	v18 =	vsel vm0, $0x3F800000, v3  }
0x7d: {  	v16 =	vadd.f32 v18, v16;
	vm0 =	vle.f32 v15, v11  }
0x7e: {  	v15 =	vld [tilespmem:s13+$0xFFFFFFA0];
	v18 =	vsel vm0, $0x3F800000, v3  }
0x7f: {  	vm0 =	vle.f32 v17, v11;
	v16 =	vadd.f32 v18, v16  }
0x80: {  	v17 =	vsel vm0, $0x3F800000, v3;
	v18 =	vld [tilespmem:s13+$0xFFFFFFB0]  }
0x81: {  	v16 =	vadd.f32 v17, v16;
	vm0 =	vle.f32 v14, v11  }
0x82: {  	v14 =	vsel vm0, $0x3F800000, v3;
	v17 =	vld [tilespmem:s13+$0xFFFFFFC0]  }
0x83: {  	v14 =	vadd.f32 v14, v16;
	vm0 =	vle.f32 v15, v11  }
0x84: {  	v15 =	vsel vm0, $0x3F800000, v3;
	v16 =	vld [tilespmem:s13+$0xFFFFFFD0]  }
0x85: {  	v14 =	vadd.f32 v15, v14;
	vm0 =	vle.f32 v18, v11  }
0x86: {  	v15 =	vsel vm0, $0x3F800000, v3;
	v18 =	vld [tilespmem:s13+$0xFFFFFFE0]  }
0x87: {  	v14 =	vadd.f32 v15, v14;
	vm0 =	vle.f32 v17, v11  }
0x88: {  	v15 =	vsel vm0, $0x3F800000, v3;
	v17 =	vld [tilespmem:s13+$0xFFFFFFF0]  }
0x89: {  	v14 =	vadd.f32 v15, v14;
	vm0 =	vle.f32 v16, v11  }
0x8a: {  	v15 =	vsel vm0, $0x3F800000, v3;
	v16 =	vld [tilespmem:s13+$0x0]  }
0x8b: {  	v14 =	vadd.f32 v15, v14;
	vm0 =	vle.f32 v18, v11  }
0x8c: {  	v15 =	vsel vm0, $0x3F800000, v3;
	v18 =	vld [tilespmem:s13+$0x10]  }
0x8d: {  	v14 =	vadd.f32 v15, v14;
	vm0 =	vle.f32 v17, v11  }
0x8e: {  	v15 =	vsel vm0, $0x3F800000, v3;
	v17 =	vld [tilespmem:s13+$0x20]  }
0x8f: {  	v14 =	vadd.f32 v15, v14;
	vm0 =	vle.f32 v16, v11  }
0x90: {  	v15 =	vsel vm0, $0x3F800000, v3;
	v16 =	vld [tilespmem:s13+$0x30]  }
0x91: {  	v14 =	vadd.f32 v15, v14;
	vm0 =	vle.f32 v18, v11  }
0x92: {  	v15 =	vsel vm0, $0x3F800000, v3;
	v18 =	vld [tilespmem:s13+$0x40]  }
0x93: {  	v14 =	vadd.f32 v15, v14;
	vm0 =	vle.f32 v17, v11  }
0x94: {  	v15 =	vsel vm0, $0x3F800000, v3;
	v17 =	vld [tilespmem:s13+$0x50]  }
.Ltmp2:
0x95: {  	v15 =	vadd.f32 v15, v14;
	vm0 =	vle.f32 v16, v11;
	(pc) =	sbr.rel @p0 .LBB2_6-.Ltmp2, $4  }
0x96: {  	v16 =	vsel vm0, $0x3F800000, v3;
	v14 =	vld [tilespmem:s13+$0x60]  }
0x97: {  	v16 =	vadd.f32 v16, v15;
	vm0 =	vle.f32 v18, v11  }
0x98: {  	v18 =	vsel vm0, $0x3F800000, v3;
	v15 =	vld [tilespmem:s13+$0x70]  }
0x99: {  	s13 =	sadd.s32 $0x100, s13;
	v16 =	vadd.f32 v18, v16;
	vm0 =	vle.f32 v17, v11  }
0x9a: {  	v17 =	vsel vm0, $0x3F800000, v3  }
0x9b: {  	v16 =	vadd.f32 v17, v16;
	vm13 =	vle.f32 v14, v11  }
0x9c: {  	v14 =	vsel vm13, $0x3F800000, v3  }
0x9d: {  	v14 =	vadd.f32 v14, v16;
	vm14 =	vle.f32 v15, v11  }
0x9e: {  	v15 =	vsel vm14, $0x3F800000, v3  }
0x9f: {  	v14 =	vadd.f32 v15, v14;
	_ =	sdelay $0x1  }
0xa0: {  	v15 =	vperm.xlane v14, v0;
	_ =	sdelay $0x1  }
0xa1: {  	v14 =	vadd.f32 v15, v14;
	_ =	sdelay $0x1  }
0xa2: {  	v15 =	vperm.xlane v14, v1;
	_ =	sdelay $0x1  }
0xa3: {  	v14 =	vadd.f32 v15, v14;
	_ =	sdelay $0x1  }
0xa4: {  	v15 =	vperm.xlane v14, v2;
	_ =	sdelay $0x1  }
0xa5: {  	v14 =	vadd.f32 v15, v14  }
0xa6: {  	s11 =	sadd.s32 $0x1, s11  }
0xa7: {  	p0 =	sne.s32 s11, $0x20;
	v15 =	vperm.xlane v14, v4  }
.Ltmp3:
0xa8: {  	v12 =	vadd.f32 v13, v12;
	(pc) =	sbr.rel @p0 .LBB2_3-.Ltmp3, $4  }
0xa9: {  	v63 =	vadd.f32 v15, v14  }
0xaa: {  	vm15 =	vge.f32 v12, $1.366000000e+03  }
0xab: {  	v9 =	vsel vm15, v9, v10;
	vm1 =	vge.f32 v63, $2.731000000e+03  }
0xac: {  	v7 =	vsel vm15, v10, v7;
	v8 =	vsel vm1, v8, v11;
	v6 =	vsel vm1, v11, v6  }
0xad: {  	s12 =	simm.s32 $0x0  }
0xae: {  	v8 =	vld [tilespmem:s12+$0x0];
	_ =	sdelay $0x4  }
0xaf: {  	vm0 =	vle.f32 v8, v6  }
0xb0: {  	s11 =	simm.s32 $0x10;
	vm1 =	vle.f32 v8, v7;
	v8 =	vsel vm0, $0x41000000, v5  }
0xb1: {  	v9 =	vsel vm1, $0x40000000, v8;
	v8 =	vld [tilespmem:s11+$0x0];
	_ =	sdelay $0x1  }
0xb2: {  	v10 =	vadd.f32 $-1.000000000e+00, v9  }
0xb3: {  	v9 =	vsub.f32 $0.0e+00, v9  }
0xb4: {  	s13 =	simm.s32 $0x80;
	[tilespmem:s12+$0x2000] =	vst v10  }
.LBB2_9:
0xb5: {  	s14 =	sshra.s32 s13, $0x2;
	p0 =	sne.s32 s13, $0x3FC0;
	s13 =	sadd.s32 $0x40, s13;
	vm0 =	vle.f32 v8, v6;
	[tilespmem:s12+$0x1000] =	vst v9  }
.Ltmp4:
0xb6: {  	vm1 =	vle.f32 v8, v7;
	s12 =	smov.u32 s11;
	v8 =	vld [tilespmem:s14+$0x0];
	v9 =	vsel vm0, $0x41000000, v5;
	s11 =	smov.u32 s14;
	(pc) =	sbr.rel @p0 .LBB2_9-.Ltmp4, $3  }
0xb7: {  	v10 =	vsel vm1, $0x40000000, v9  }
0xb8: {  	v9 =	vsub.f32 $0.0e+00, v10;
	v10 =	vadd.f32 $-1.000000000e+00, v10;
	_ =	sdelay $0x1  }
0xb9: {  	[tilespmem:s12+$0x2000] =	vst v10  }
0xba: {  	vm0 =	vle.f32 v8, v6  }
0xbb: {  	vm1 =	vle.f32 v8, v7;
	v6 =	vsel vm0, $0x41000000, v5  }
0xbc: {  	v6 =	vsel vm1, $0x40000000, v6  }
0xbd: {  	v7 =	vadd.f32 $-1.000000000e+00, v6  }
0xbe: {  	[tilespmem:s12+$0x1000] =	vst v9;
	v6 =	vsub.f32 $0.0e+00, v6  }
0xbf: {  	[tilespmem:s11+$0x2000] =	vst v7  }
0xc0: {  	[tilespmem:s11+$0x1000] =	vst v6  }
0xc1: {  	[hbm4b:s3+s6] =	stream.linear.scatter [tilespmem:s8], [sflag:$0x1], $0x1000, $0x38;
	[tilespmem:$0x3000] =	vst v63  }
0xc2: {  	s10 =	sadd.s32 $0x1, s10;
	_ =	swait.ge [sflag:s7], $0x1000  }
0xc3: {  	p0 =	sne.s32 s10, s5;
	[sflag:s7] =	ssyncset.done $0x0  }
.Ltmp5:
0xc4: {  	[sflag:s7] =	ssyncadd.s32 $0xFFFFF000;
	(pc) =	sbr.rel @p0 .LBB2_2-.Ltmp5, $4  }
0xc5: {  	[hbm4b:s4+s6] =	stream.linear.scatter [tilespmem:s9], [sflag:$0x1], $0x1000, $0x38;
	[tilespmem:$0x3000] =	vst v63  }
0xc6: {  	_ =	swait.ge [sflag:s7], $0x1000  }
0xc7: {  	[sflag:s7] =	ssyncset.done $0x0  }
0xc8: {  	[sflag:s7] =	ssyncadd.s32 $0xFFFFF000  }
.LBB2_11:
0xc9: {  	_ =	sfence.sel $0x180000  }
0xca: {  	[bflag:$0x0] =	sbarrier.arrive $0xFFFF  }
0xcb: {  	p0 =	sne.s32 s0, $0x0;
	_ =	strace $0x90000047  }
0xcc: {  	s0 =	sadd.s32 @!p0 $0x100000, s2;
	[bflag:$0x2] =	sbarrier.arrive $0xFFFF  }
0xcd: {  	[sflag:s0] =	ssyncadd.tile.s32 @!p0 $0x1;
	_ =	shalt  }
.Lfunc_end2:
_tile_overlayer_lowered:
.L_overlay_start_2:
0xce: {  	(tag) =	ssettag $0x2  }
0xcf: {  	s0 =	rddreg [dreg:$0x0];
	s2 =	stileid.u32  }
0xd0: {  	s1 =	rddreg [dreg:$0x1];
	p0 =	sne.s32 s2, $0x0  }
0xd1: {  	s3 =	rddreg [dreg:$0x2];
	[bflag:$0x3] =	sbarrier.arrive $0xFFFF;
	s2 =	simm.s32 @!p0 $0x1C01  }
0xd2: {  	[timem:s3], [sflag:s2] =	dma.local @!p0 [hbm:s0], s1  }
0xd3: {  	s0 =	simm.s32 @!p0 $0x1  }
0xd4: {  	_ =	swait.ge @!p0 [sflag:s0], s1  }
0xd5: {  	s1 =	ssub.s32 @!p0 $0x0, s1;
	[sflag:s0] =	ssyncset.done @!p0 $0x0  }
0xd6: {  	[sflag:s0] =	ssyncadd.s32 @!p0 s1  }
0xd7: {  	[bflag:$0x3] =	sbarrier.arrive $0xFFFF  }
0xd8: {  	_ =	shalt  }

</sc_bundles>
